<compile_context>
chip_gen: v7x
topology: tpu7x:2x2x1
jax: 0.10.2.dev20260603
libtpu: 0.0.44.dev20260713+nightly
codegen_flags: <defaults>
</compile_context>

<pallas_src>
import functools
import jax
import jax.numpy as jnp
from jax import lax
from jax.experimental import pallas as pl
from jax.experimental.pallas import tpu as pltpu
from jax.experimental.pallas import tpu_sc as plsc

_F32 = jnp.float32
_I32 = jnp.int32
_H = 8
_NC = 2
_NS = 16
_NW = _NC * _NS
_W128 = 128


def _erf(x):
    p = 0.3275911
    a1, a2, a3, a4, a5 = (0.254829592, -0.284496736, 1.421413741,
                          -1.453152027, 1.061405429)
    ax = jnp.abs(x)
    t = 1.0 / (1.0 + p * ax)
    poly = ((((a5 * t + a4) * t + a3) * t + a2) * t + a1) * t
    y = 1.0 - poly * jnp.exp(-ax * ax)
    return jnp.sign(x) * y


def _gelu(x):
    return 0.5 * x * (1.0 + _erf(x * 0.7071067811865475))


def _ln(x, g, b, eps=1e-3):
    mu = jnp.mean(x, axis=-1, keepdims=True)
    var = jnp.mean((x - mu) ** 2, axis=-1, keepdims=True)
    return (x - mu) / jnp.sqrt(var + eps) * g + b


def _prep_body(D, nodes_ref, w_ref, t_ref):
    n = nodes_ref[0]
    t_ref[0, :, :D] = jnp.dot(n, w_ref[0:D], preferred_element_type=_F32)
    t_ref[0, :, D:2 * D] = jnp.dot(n, w_ref[D:2 * D],
                                   preferred_element_type=_F32)


def _sc_gather_body(B, N, E, F, CH, t_hbm, e_hbm, g_hbm,
                    e2v, idxv, rows, gbuf, sem):
    epw = (B * E) // _NW
    nch = epw // CH
    wid = lax.axis_index("s") * _NC + lax.axis_index("c")
    base_e = wid * epw
    nbase = (base_e // E) * N

    def chunk(k, carry):
        eoff = base_e + k * CH
        pltpu.sync_copy(e_hbm.at[pl.ds(eoff * 2, 2 * CH)], e2v)

        def mkidx(i, c):
            v = e2v[pl.ds(i * 16, 16)]
            idxv[i // 8, pl.ds((i % 8) * 16, 16)] = v + nbase
            return c

        lax.fori_loop(0, (2 * CH) // 16, mkidx, 0, unroll=4)
        cps = [pltpu.async_copy(t_hbm.at[idxv.at[j]],
                                rows.at[pl.ds(j * 128, 128)], sem)
               for j in range((2 * CH) // 128)]
        for cp in cps:
            cp.wait()

        def pairadd(e, c):
            for u in range(F // 16):
                sl = pl.ds(u * 16, 16)
                gbuf[e, sl] = rows[2 * e, sl] + rows[2 * e + 1,
                                                     pl.ds(F + u * 16, 16)]
            return c

        lax.fori_loop(0, CH, pairadd, 0, unroll=2)
        pltpu.sync_copy(gbuf, g_hbm.at[pl.ds(eoff, CH)])
        return carry

    lax.fori_loop(0, nch, chunk, 0)


def _sc_gather(B, N, E, F, t2, eflat):
    CH = 256
    kfn = functools.partial(_sc_gather_body, B, N, E, F, CH)
    return pl.kernel(
        kfn,
        mesh=plsc.VectorSubcoreMesh(core_axis_name="c", subcore_axis_name="s"),
        out_type=jax.ShapeDtypeStruct((B * E, F), _F32),
        scratch_types=[
            pltpu.VMEM((2 * CH,), _I32),
            pltpu.VMEM(((2 * CH) // 128, 128), _I32),
            pltpu.VMEM((2 * CH, _W128), _F32),
            pltpu.VMEM((CH, F), _F32),
            pltpu.SemaphoreType.DMA,
        ],
    )(t2, eflat)


def _edge_body(N, g_ref, ef_ref, dist_ref, dst_ref, we_ref, bm_ref,
               g1_ref, b1_ref, sg_ref, bt_ref, wm_ref, ew_ref, agg_ref):
    R = jnp.dot(ef_ref[0], we_ref[...], preferred_element_type=_F32)
    pre = g_ref[0] + R + bm_ref[0]
    m = _ln(_gelu(pre), g1_ref[0], b1_ref[0])
    d = dist_ref[0, 0, 0]
    sig = sg_ref[0, 0]
    bet = bt_ref[0, 0]
    z = d * d / (2.0 * sig * sig)
    zb = jnp.exp(bet * jnp.log(jnp.maximum(z, 1e-38)))
    ew = jnp.exp(-zb)
    wmv = m * ew[:, None]
    wm_ref[0] = wmv
    ew_ref[0, 0, 0] = ew
    dst = dst_ref[0, 0, 0]
    iota = lax.broadcasted_iota(_I32, (N, dst.shape[0]), 0)
    oh = (iota == dst[None, :]).astype(jnp.bfloat16)
    contrib = jnp.dot(oh, wmv.astype(jnp.bfloat16),
                      preferred_element_type=_F32)
    e = pl.program_id(1)

    @pl.when(e == 0)
    def _():
        agg_ref[0] = contrib

    @pl.when(e > 0)
    def _():
        agg_ref[0] += contrib


def _attn_body(F, nodes_ref, part_ref, wq_ref, bq_ref, wk_ref, bk_ref,
               wv_ref, bv_ref, wo_ref, bo_ref, g2_ref, b2_ref, out_ref):
    agg = part_ref[0]
    x = jnp.concatenate([nodes_ref[0], agg], axis=1)
    q = jnp.dot(x, wq_ref[...], preferred_element_type=_F32) + bq_ref[0]
    k = jnp.dot(x, wk_ref[...], preferred_element_type=_F32) + bk_ref[0]
    v = jnp.dot(x, wv_ref[...], preferred_element_type=_F32) + bv_ref[0]
    pd = F // _H
    scale = 1.0 / (pd ** 0.5)
    outs = []
    for h in range(_H):
        sl = slice(h * pd, (h + 1) * pd)
        qh, kh, vh = q[:, sl], k[:, sl], v[:, sl]
        s = lax.dot_general(qh, kh, (((1,), (1,)), ((), ())),
                            preferred_element_type=_F32) * scale
        s = s - jnp.max(s, axis=-1, keepdims=True)
        e = jnp.exp(s)
        w = e / jnp.sum(e, axis=-1, keepdims=True)
        outs.append(jnp.dot(w, vh, preferred_element_type=_F32))
    att = jnp.concatenate(outs, axis=1)
    o = jnp.dot(att, wo_ref[...], preferred_element_type=_F32) + bo_ref[0]
    out_ref[0] = _ln(_gelu(o), g2_ref[0], b2_ref[0])


def kernel(nodes, edge_features, distance, edges, node_mask, W_msg, b_msg,
           ln1_g, ln1_b, Wq, bq, Wk, bk, Wv, bv, Wo, bo, ln2_g, ln2_b,
           sigma, beta):
    B, N, D = nodes.shape
    E = edges.shape[1]
    DE = edge_features.shape[2]
    F = W_msg.shape[1]
    Eb = min(512, E)
    nblk = E // Eb

    T = pl.pallas_call(
        functools.partial(_prep_body, D),
        grid=(B,),
        in_specs=[
            pl.BlockSpec((1, N, D), lambda b: (b, 0, 0)),
            pl.BlockSpec((2 * D + DE, F), lambda b: (0, 0)),
        ],
        out_specs=pl.BlockSpec((1, N, _W128), lambda b: (b, 0, 0)),
        out_shape=jax.ShapeDtypeStruct((B, N, _W128), _F32),
    )(nodes, W_msg)

    t2 = T.reshape(B * N, _W128)
    eflat = edges.reshape(B * E * 2)
    dist4 = distance.reshape(B, nblk, 1, Eb)
    We = W_msg[2 * D:]
    bm = b_msg.reshape(1, F)
    g1, b1 = ln1_g.reshape(1, F), ln1_b.reshape(1, F)
    g2, b2 = ln2_g.reshape(1, F), ln2_b.reshape(1, F)
    sg, bt = sigma.reshape(1, 1), beta.reshape(1, 1)

    G = _sc_gather(B, N, E, F, t2, eflat).reshape(B, E, F)

    dst4 = edges[:, :, 1].reshape(B, nblk, 1, Eb)
    wm, ew4, part4 = pl.pallas_call(
        functools.partial(_edge_body, N),
        grid=(B, nblk),
        in_specs=[
            pl.BlockSpec((1, Eb, F), lambda b, e: (b, e, 0)),
            pl.BlockSpec((1, Eb, DE), lambda b, e: (b, e, 0)),
            pl.BlockSpec((1, 1, 1, Eb), lambda b, e: (b, e, 0, 0)),
            pl.BlockSpec((1, 1, 1, Eb), lambda b, e: (b, e, 0, 0)),
            pl.BlockSpec((DE, F), lambda b, e: (0, 0)),
            pl.BlockSpec((1, F), lambda b, e: (0, 0)),
            pl.BlockSpec((1, F), lambda b, e: (0, 0)),
            pl.BlockSpec((1, F), lambda b, e: (0, 0)),
            pl.BlockSpec((1, 1), lambda b, e: (0, 0)),
            pl.BlockSpec((1, 1), lambda b, e: (0, 0)),
        ],
        out_specs=[
            pl.BlockSpec((1, Eb, F), lambda b, e: (b, e, 0)),
            pl.BlockSpec((1, 1, 1, Eb), lambda b, e: (b, e, 0, 0)),
            pl.BlockSpec((1, N, F), lambda b, e: (b, 0, 0)),
        ],
        out_shape=[
            jax.ShapeDtypeStruct((B, E, F), _F32),
            jax.ShapeDtypeStruct((B, nblk, 1, Eb), _F32),
            jax.ShapeDtypeStruct((B, N, F), _F32),
        ],
    )(G, edge_features, dist4, dst4, We, bm, g1, b1, sg, bt)

    updated = pl.pallas_call(
        functools.partial(_attn_body, F),
        grid=(B,),
        in_specs=[
            pl.BlockSpec((1, N, D), lambda b: (b, 0, 0)),
            pl.BlockSpec((1, N, F), lambda b: (b, 0, 0)),
            pl.BlockSpec((D + F, F), lambda b: (0, 0)),
            pl.BlockSpec((1, F), lambda b: (0, 0)),
            pl.BlockSpec((D + F, F), lambda b: (0, 0)),
            pl.BlockSpec((1, F), lambda b: (0, 0)),
            pl.BlockSpec((D + F, F), lambda b: (0, 0)),
            pl.BlockSpec((1, F), lambda b: (0, 0)),
            pl.BlockSpec((F, F), lambda b: (0, 0)),
            pl.BlockSpec((1, F), lambda b: (0, 0)),
            pl.BlockSpec((1, F), lambda b: (0, 0)),
            pl.BlockSpec((1, F), lambda b: (0, 0)),
        ],
        out_specs=pl.BlockSpec((1, N, F), lambda b: (b, 0, 0)),
        out_shape=jax.ShapeDtypeStruct((B, N, F), _F32),
    )(nodes, part4, Wq, bq.reshape(1, F), Wk, bk.reshape(1, F),
      Wv, bv.reshape(1, F), Wo, bo.reshape(1, F), g2, b2)

    return (updated, wm, distance, edges, ew4.reshape(B, E))

# --- scband reference (transcript-rebuilt; emitter-appended) ---
"""Pipeline reference for scband-graph-layer-88003879895092 (READ-ONLY COPY).

The authoritative reference and input builder live on the scoring server;
editing this copy changes nothing except your own understanding.
"""

import jax, jax.numpy as jnp
import numpy as np

B, N, E, D, DE, F, H = 8, 512, 65536, 64, 4, 64, 8

def _layernorm(x, g, b, eps=1e-3):
    mu = jnp.mean(x, axis=-1, keepdims=True)
    var = jnp.var(x, axis=-1, keepdims=True)
    return (x - mu) / jnp.sqrt(var + eps) * g + b

def setup_inputs(seed: int = 0):
    key = jax.random.key(seed)
    ks = jax.random.split(key, 16)
    inp = {}
    inp["nodes"] = jax.random.normal(ks[0], (B, N, D), dtype=jnp.float32)
    inp["edge_features"] = jax.random.normal(ks[1], (B, E, DE), dtype=jnp.float32)
    inp["distance"] = jax.random.uniform(ks[2], (B, E), dtype=jnp.float32)
    inp["edges"] = jax.random.randint(ks[3], (B, E, 2), 0, N, dtype=jnp.int32)
    inp["node_mask"] = jnp.zeros((B, N), dtype=jnp.float32)
    inp["W_msg"] = jax.random.normal(ks[4], (2 * D + DE, F), dtype=jnp.float32) * 0.05
    inp["b_msg"] = jnp.zeros((F,), dtype=jnp.float32)
    inp["ln1_g"] = jnp.ones((F,), dtype=jnp.float32)
    inp["ln1_b"] = jnp.zeros((F,), dtype=jnp.float32)
    inp["Wq"] = jax.random.normal(ks[5], (D + F, F), dtype=jnp.float32) * 0.05
    inp["bq"] = jnp.zeros((F,), dtype=jnp.float32)
    inp["Wk"] = jax.random.normal(ks[6], (D + F, F), dtype=jnp.float32) * 0.05
    inp["bk"] = jnp.zeros((F,), dtype=jnp.float32)
    inp["Wv"] = jax.random.normal(ks[7], (D + F, F), dtype=jnp.float32) * 0.05
    inp["bv"] = jnp.zeros((F,), dtype=jnp.float32)
    inp["Wo"] = jax.random.normal(ks[8], (F, F), dtype=jnp.float32) * 0.05
    inp["bo"] = jnp.zeros((F,), dtype=jnp.float32)
    inp["ln2_g"] = jnp.ones((F,), dtype=jnp.float32)
    inp["ln2_b"] = jnp.zeros((F,), dtype=jnp.float32)
    inp["sigma"] = jnp.full((1,), 0.01, dtype=jnp.float32)
    inp["beta"] = jnp.full((1,), 1.0, dtype=jnp.float32)
    return inp

def reference(nodes, edge_features, distance, edges, node_mask, W_msg, b_msg, ln1_g, ln1_b, Wq, bq, Wk, bk, Wv, bv, Wo, bo, ln2_g, ln2_b, sigma, beta):
    Bx, Nx, Dx = nodes.shape
    Ex = edges.shape[1]
    # message passing: gather both endpoints per edge (tf.gather with batch_dims=1)
    gathered = jax.vmap(lambda n, e: n[e])(nodes, edges)  # [B, E, 2, D]
    messages = gathered.reshape(Bx, Ex, 2 * Dx)
    reshaped = jnp.concatenate([messages, edge_features], axis=-1)
    m = jnp.dot(reshaped, W_msg) + b_msg
    m = jax.nn.gelu(m, approximate=False)
    m = _layernorm(m, ln1_g, ln1_b)
    edge_weights = jnp.exp(-1.0 * (distance ** 2 / (2.0 * sigma ** 2)) ** beta)
    weighted_messages = m * edge_weights[..., None]
    # scatter-add messages to destination nodes (tf.scan over batch of unsorted_segment_sum)
    aggregated = jax.vmap(lambda msg, seg: jax.ops.segment_sum(msg, seg, num_segments=Nx))(weighted_messages, edges[:, :, 1])
    # update: multi-head self-attention over [nodes, aggregated]
    x = jnp.concatenate([nodes, aggregated], axis=-1)  # [B, N, D+F]
    q = jnp.dot(x, Wq) + bq
    k = jnp.dot(x, Wk) + bk
    v = jnp.dot(x, Wv) + bv
    pd = F // H
    def split_heads(t):
        return t.reshape(Bx, Nx, H, pd).transpose(0, 2, 1, 3)
    qh, kh, vh = split_heads(q), split_heads(k), split_heads(v)
    score = jnp.einsum('bhqd,bhkd->bhqk', qh, kh) / jnp.sqrt(jnp.float32(pd))
    w = jax.nn.softmax(score, axis=-1)
    att = jnp.einsum('bhqk,bhkd->bhqd', w, vh)
    att = att.transpose(0, 2, 1, 3).reshape(Bx, Nx, F)
    out = jnp.dot(att, Wo) + bo
    out = jax.nn.gelu(out, approximate=False)
    updated_nodes = _layernorm(out, ln2_g, ln2_b)
    return (updated_nodes, weighted_messages, distance, edges, edge_weights)

if __name__ == "__main__":
    import jax
    _d = setup_inputs()
    print(jax.jit(kernel)(*tuple(_d.values())))

</pallas_src>

<mosaic_0001>
#map = affine_map<(d0, d1) -> (0, 0)>
#map1 = affine_map<(d0, d1) -> (0)>
module attributes {stable_mosaic.version = 14 : i64} {
  func.func @_sc_gather_body(%arg0: i32, %arg1: i32, %arg2: memref<4096x128xf32, #tpu.memory_space<hbm>>, %arg3: memref<1048576xi32, #tpu.memory_space<hbm>>, %arg4: memref<524288x64xf32, #tpu.memory_space<hbm>>, %arg5: memref<512xi32, #tpu.memory_space<vmem>>, %arg6: memref<4x128xi32, #tpu.memory_space<vmem>>, %arg7: memref<512x128xf32, #tpu.memory_space<vmem>>, %arg8: memref<256x64xf32, #tpu.memory_space<vmem>>, %arg9: memref<!tpu.dma_semaphore, #tpu.memory_space<semaphore_mem>>) attributes {dimension_semantics = [#tpu.dimension_semantics<core_parallel>, #tpu.dimension_semantics<subcore_parallel>], iteration_bounds = array<i64: 2, 16>, scalar_prefetch = 0 : i64, scratch_operands = 5 : i64, tpu.core_type = #tpu.core_type<sc_vector_subcore>, window_params = [{transform_indices = #map}, {transform_indices = #map1}, {transform_indices = #map}]} {
    %mul3A = arith.constant 2 : i32
    %mul3A_0 = arith.muli %arg1, %mul3A : i32
    %add3A = arith.addi %mul3A_0, %arg0 : i32
    %mul3A_1 = arith.constant 16384 : i32
    %mul3A_2 = arith.muli %add3A, %mul3A_1 : i32
    %jit3A = arith.constant 65536 : i32
    %div3A = arith.divsi %mul3A_2, %jit3A : i32
    %sign3A = arith.constant 0 : i32
    %sign3A_3 = arith.cmpi sgt, %mul3A_2, %sign3A : i32
    %sign3A_4 = arith.extui %sign3A_3 : i1 to i32
    %sign3A_5 = arith.constant 0 : i32
    %sign3A_6 = arith.cmpi slt, %mul3A_2, %sign3A_5 : i32
    %sign3A_7 = arith.extui %sign3A_6 : i1 to i32
    %sign3A_8 = arith.subi %sign3A_4, %sign3A_7 : i32
    %sign3A_9 = arith.constant 0 : i32
    %sign3A_10 = arith.cmpi sgt, %jit3A, %sign3A_9 : i32
    %sign3A_11 = arith.extui %sign3A_10 : i1 to i32
    %sign3A_12 = arith.constant 0 : i32
    %sign3A_13 = arith.cmpi slt, %jit3A, %sign3A_12 : i32
    %sign3A_14 = arith.extui %sign3A_13 : i1 to i32
    %sign3A_15 = arith.subi %sign3A_11, %sign3A_14 : i32
    %ne3A = arith.cmpi ne, %sign3A_8, %sign3A_15 : i32
    %rem3A = arith.remsi %mul3A_2, %jit3A : i32
    %ne3A_16 = arith.constant 0 : i32
    %ne3A_17 = arith.cmpi ne, %rem3A, %ne3A_16 : i32
    %and3A = arith.andi %ne3A, %ne3A_17 : i1
    %sub3A = arith.constant 1 : i32
    %sub3A_18 = arith.subi %div3A, %sub3A : i32
    %select_n3A = arith.select %and3A, %sub3A_18, %div3A : i32
    %mul3A_19 = arith.constant 512 : i32
    %mul3A_20 = arith.muli %select_n3A, %mul3A_19 : i32
    %scan3A = arith.constant 0 : i32
    %scan3A_21 = arith.constant 0 : i32
    %scan3A_22 = arith.constant 64 : i32
    %scan3A_23 = arith.addi %scan3A_21, %scan3A_22 : i32
    %scan3A_24 = arith.constant 1 : i32
    scf.for %scan3A_26 = %scan3A_21 to %scan3A_23 step %scan3A_24  : i32 {
      %mul3A_27 = arith.constant 256 : i32
      %mul3A_28 = arith.muli %scan3A_26, %mul3A_27 : i32
      %add3A_29 = arith.addi %mul3A_2, %mul3A_28 : i32
      %mul3A_30 = arith.constant 2 : i32
      %mul3A_31 = arith.muli %add3A_29, %mul3A_30 : i32
      "tpu.region"() ({
        %run_scoped3A = tpu.sem_alloc : memref<!tpu.dma_semaphore, #tpu.memory_space<semaphore_mem>>
        %dma_start3A_122 = tpu.memref_slice %arg3[%mul3A_31] : memref<1048576xi32, #tpu.memory_space<hbm>> -> memref<512xi32, #tpu.memory_space<hbm>>
        %dma_start3A_123 = tpu.memref_slice %arg3[%mul3A_31] : memref<1048576xi32, #tpu.memory_space<hbm>> -> memref<512xi32, #tpu.memory_space<hbm>>
        tpu.enqueue_dma source(%dma_start3A_123 : memref<512xi32, #tpu.memory_space<hbm>>) target(%arg5 : memref<512xi32, #tpu.memory_space<vmem>>) target_semaphore(%run_scoped3A : memref<!tpu.dma_semaphore, #tpu.memory_space<semaphore_mem>>)
        %dma_wait3A_124 = tpu.memref_slice %arg3[%mul3A_31] : memref<1048576xi32, #tpu.memory_space<hbm>> -> memref<512xi32, #tpu.memory_space<hbm>>
        %dma_wait3A_125 = tpu.memref_slice %arg3[%mul3A_31] : memref<1048576xi32, #tpu.memory_space<hbm>> -> memref<512xi32, #tpu.memory_space<hbm>>
        tpu.wait_dma2 semaphore(%run_scoped3A : memref<!tpu.dma_semaphore, #tpu.memory_space<semaphore_mem>>) src(%dma_wait3A_125 : memref<512xi32, #tpu.memory_space<hbm>>) dst(%arg5 : memref<512xi32, #tpu.memory_space<vmem>>)
        tpu.yield
      }) : () -> ()
      %scan3A_32 = arith.constant 0 : i32
      %scan3A_33 = arith.constant 0 : i32
      %scan3A_34 = arith.constant 32 : i32
      %scan3A_35 = arith.addi %scan3A_33, %scan3A_34 : i32
      %scan3A_36 = arith.constant 4 : i32
      scf.for %scan3A_122 = %scan3A_33 to %scan3A_35 step %scan3A_36  : i32 {
        %mul3A_123 = arith.constant 16 : i32
        %mul3A_124 = arith.muli %scan3A_122, %mul3A_123 : i32
        %get3A = arith.index_cast %mul3A_124 : i32 to index
        %get3A_125 = tpu.vector_load %arg5[%get3A] {strides = array<i32>} : memref<512xi32, #tpu.memory_space<vmem>>, vector<16xi32>,
        %get3A_126 = vector.shape_cast %get3A_125 : vector<16xi32> to vector<16xi32>
        %add3A_127 = vector.broadcast %mul3A_20 : i32 to vector<16xi32>
        %add3A_128 = arith.addi %get3A_126, %add3A_127 : vector<16xi32>
        %jit3A_129 = arith.constant 8 : i32
        %div3A_130 = arith.divsi %scan3A_122, %jit3A_129 : i32
        %sign3A_131 = arith.constant 0 : i32
        %sign3A_132 = arith.cmpi sgt, %scan3A_122, %sign3A_131 : i32
        %sign3A_133 = arith.extui %sign3A_132 : i1 to i32
        %sign3A_134 = arith.constant 0 : i32
        %sign3A_135 = arith.cmpi slt, %scan3A_122, %sign3A_134 : i32
        %sign3A_136 = arith.extui %sign3A_135 : i1 to i32
        %sign3A_137 = arith.subi %sign3A_133, %sign3A_136 : i32
        %sign3A_138 = arith.constant 0 : i32
        %sign3A_139 = arith.cmpi sgt, %jit3A_129, %sign3A_138 : i32
        %sign3A_140 = arith.extui %sign3A_139 : i1 to i32
        %sign3A_141 = arith.constant 0 : i32
        %sign3A_142 = arith.cmpi slt, %jit3A_129, %sign3A_141 : i32
        %sign3A_143 = arith.extui %sign3A_142 : i1 to i32
        %sign3A_144 = arith.subi %sign3A_140, %sign3A_143 : i32
        %ne3A_145 = arith.cmpi ne, %sign3A_137, %sign3A_144 : i32
        %rem3A_146 = arith.remsi %scan3A_122, %jit3A_129 : i32
        %ne3A_147 = arith.constant 0 : i32
        %ne3A_148 = arith.cmpi ne, %rem3A_146, %ne3A_147 : i32
        %and3A_149 = arith.andi %ne3A_145, %ne3A_148 : i1
        %sub3A_150 = arith.constant 1 : i32
        %sub3A_151 = arith.subi %div3A_130, %sub3A_150 : i32
        %select_n3A_152 = arith.select %and3A_149, %sub3A_151, %div3A_130 : i32
        %jit3A_153 = arith.constant 8 : i32
        %eq3A = arith.constant 0 : i32
        %eq3A_154 = arith.cmpi eq, %jit3A_153, %eq3A : i32
        %jit3A_155 = arith.constant 1 : i32
        %select_n3A_156 = arith.select %eq3A_154, %jit3A_155, %jit3A_153 : i32
        %rem3A_157 = arith.remsi %scan3A_122, %select_n3A_156 : i32
        %ne3A_158 = arith.constant 0 : i32
        %ne3A_159 = arith.cmpi ne, %rem3A_157, %ne3A_158 : i32
        %lt3A = arith.constant 0 : i32
        %lt3A_160 = arith.cmpi slt, %rem3A_157, %lt3A : i32
        %lt3A_161 = arith.constant 0 : i32
        %lt3A_162 = arith.cmpi slt, %select_n3A_156, %lt3A_161 : i32
        %ne3A_163 = arith.xori %lt3A_160, %lt3A_162 : i1
        %and3A_164 = arith.andi %ne3A_163, %ne3A_159 : i1
        %add3A_165 = arith.addi %rem3A_157, %select_n3A_156 : i32
        %select_n3A_166 = arith.select %and3A_164, %add3A_165, %rem3A_157 : i32
        %mul3A_167 = arith.constant 16 : i32
        %mul3A_168 = arith.muli %select_n3A_166, %mul3A_167 : i32
        %swap3A = arith.index_cast %select_n3A_152 : i32 to index
        %swap3A_169 = arith.index_cast %mul3A_168 : i32 to index
        %swap3A_170 = tpu.vector_load %arg6[%swap3A, %swap3A_169] {strides = array<i32>} : memref<4x128xi32, #tpu.memory_space<vmem>>, vector<1x16xi32>,
        %swap3A_171 = vector.shape_cast %swap3A_170 : vector<1x16xi32> to vector<16xi32>
        %swap3A_172 = vector.shape_cast %add3A_128 : vector<16xi32> to vector<1x16xi32>
        tpu.vector_store %arg6[%swap3A, %swap3A_169], %swap3A_172 {strides = array<i32>} : memref<4x128xi32, #tpu.memory_space<vmem>>, vector<1x16xi32>,
        %scan3A_173 = arith.constant 1 : i32
        %scan3A_174 = arith.addi %scan3A_122, %scan3A_173 : i32
        %mul3A_175 = arith.constant 16 : i32
        %mul3A_176 = arith.muli %scan3A_174, %mul3A_175 : i32
        %get3A_177 = arith.index_cast %mul3A_176 : i32 to index
        %get3A_178 = tpu.vector_load %arg5[%get3A_177] {strides = array<i32>} : memref<512xi32, #tpu.memory_space<vmem>>, vector<16xi32>,
        %get3A_179 = vector.shape_cast %get3A_178 : vector<16xi32> to vector<16xi32>
        %add3A_180 = vector.broadcast %mul3A_20 : i32 to vector<16xi32>
        %add3A_181 = arith.addi %get3A_179, %add3A_180 : vector<16xi32>
        %jit3A_182 = arith.constant 8 : i32
        %div3A_183 = arith.divsi %scan3A_174, %jit3A_182 : i32
        %sign3A_184 = arith.constant 0 : i32
        %sign3A_185 = arith.cmpi sgt, %scan3A_174, %sign3A_184 : i32
        %sign3A_186 = arith.extui %sign3A_185 : i1 to i32
        %sign3A_187 = arith.constant 0 : i32
        %sign3A_188 = arith.cmpi slt, %scan3A_174, %sign3A_187 : i32
        %sign3A_189 = arith.extui %sign3A_188 : i1 to i32
        %sign3A_190 = arith.subi %sign3A_186, %sign3A_189 : i32
        %sign3A_191 = arith.constant 0 : i32
        %sign3A_192 = arith.cmpi sgt, %jit3A_182, %sign3A_191 : i32
        %sign3A_193 = arith.extui %sign3A_192 : i1 to i32
        %sign3A_194 = arith.constant 0 : i32
        %sign3A_195 = arith.cmpi slt, %jit3A_182, %sign3A_194 : i32
        %sign3A_196 = arith.extui %sign3A_195 : i1 to i32
        %sign3A_197 = arith.subi %sign3A_193, %sign3A_196 : i32
        %ne3A_198 = arith.cmpi ne, %sign3A_190, %sign3A_197 : i32
        %rem3A_199 = arith.remsi %scan3A_174, %jit3A_182 : i32
        %ne3A_200 = arith.constant 0 : i32
        %ne3A_201 = arith.cmpi ne, %rem3A_199, %ne3A_200 : i32
        %and3A_202 = arith.andi %ne3A_198, %ne3A_201 : i1
        %sub3A_203 = arith.constant 1 : i32
        %sub3A_204 = arith.subi %div3A_183, %sub3A_203 : i32
        %select_n3A_205 = arith.select %and3A_202, %sub3A_204, %div3A_183 : i32
        %jit3A_206 = arith.constant 8 : i32
        %eq3A_207 = arith.constant 0 : i32
        %eq3A_208 = arith.cmpi eq, %jit3A_206, %eq3A_207 : i32
        %jit3A_209 = arith.constant 1 : i32
        %select_n3A_210 = arith.select %eq3A_208, %jit3A_209, %jit3A_206 : i32
        %rem3A_211 = arith.remsi %scan3A_174, %select_n3A_210 : i32
        %ne3A_212 = arith.constant 0 : i32
        %ne3A_213 = arith.cmpi ne, %rem3A_211, %ne3A_212 : i32
        %lt3A_214 = arith.constant 0 : i32
        %lt3A_215 = arith.cmpi slt, %rem3A_211, %lt3A_214 : i32
        %lt3A_216 = arith.constant 0 : i32
        %lt3A_217 = arith.cmpi slt, %select_n3A_210, %lt3A_216 : i32
        %ne3A_218 = arith.xori %lt3A_215, %lt3A_217 : i1
        %and3A_219 = arith.andi %ne3A_218, %ne3A_213 : i1
        %add3A_220 = arith.addi %rem3A_211, %select_n3A_210 : i32
        %select_n3A_221 = arith.select %and3A_219, %add3A_220, %rem3A_211 : i32
        %mul3A_222 = arith.constant 16 : i32
        %mul3A_223 = arith.muli %select_n3A_221, %mul3A_222 : i32
        %swap3A_224 = arith.index_cast %select_n3A_205 : i32 to index
        %swap3A_225 = arith.index_cast %mul3A_223 : i32 to index
        %swap3A_226 = tpu.vector_load %arg6[%swap3A_224, %swap3A_225] {strides = array<i32>} : memref<4x128xi32, #tpu.memory_space<vmem>>, vector<1x16xi32>,
        %swap3A_227 = vector.shape_cast %swap3A_226 : vector<1x16xi32> to vector<16xi32>
        %swap3A_228 = vector.shape_cast %add3A_181 : vector<16xi32> to vector<1x16xi32>
        tpu.vector_store %arg6[%swap3A_224, %swap3A_225], %swap3A_228 {strides = array<i32>} : memref<4x128xi32, #tpu.memory_space<vmem>>, vector<1x16xi32>,
        %scan3A_229 = arith.constant 2 : i32
        %scan3A_230 = arith.addi %scan3A_122, %scan3A_229 : i32
        %mul3A_231 = arith.constant 16 : i32
        %mul3A_232 = arith.muli %scan3A_230, %mul3A_231 : i32
        %get3A_233 = arith.index_cast %mul3A_232 : i32 to index
        %get3A_234 = tpu.vector_load %arg5[%get3A_233] {strides = array<i32>} : memref<512xi32, #tpu.memory_space<vmem>>, vector<16xi32>,
        %get3A_235 = vector.shape_cast %get3A_234 : vector<16xi32> to vector<16xi32>
        %add3A_236 = vector.broadcast %mul3A_20 : i32 to vector<16xi32>
        %add3A_237 = arith.addi %get3A_235, %add3A_236 : vector<16xi32>
        %jit3A_238 = arith.constant 8 : i32
        %div3A_239 = arith.divsi %scan3A_230, %jit3A_238 : i32
        %sign3A_240 = arith.constant 0 : i32
        %sign3A_241 = arith.cmpi sgt, %scan3A_230, %sign3A_240 : i32
        %sign3A_242 = arith.extui %sign3A_241 : i1 to i32
        %sign3A_243 = arith.constant 0 : i32
        %sign3A_244 = arith.cmpi slt, %scan3A_230, %sign3A_243 : i32
        %sign3A_245 = arith.extui %sign3A_244 : i1 to i32
        %sign3A_246 = arith.subi %sign3A_242, %sign3A_245 : i32
        %sign3A_247 = arith.constant 0 : i32
        %sign3A_248 = arith.cmpi sgt, %jit3A_238, %sign3A_247 : i32
        %sign3A_249 = arith.extui %sign3A_248 : i1 to i32
        %sign3A_250 = arith.constant 0 : i32
        %sign3A_251 = arith.cmpi slt, %jit3A_238, %sign3A_250 : i32
        %sign3A_252 = arith.extui %sign3A_251 : i1 to i32
        %sign3A_253 = arith.subi %sign3A_249, %sign3A_252 : i32
        %ne3A_254 = arith.cmpi ne, %sign3A_246, %sign3A_253 : i32
        %rem3A_255 = arith.remsi %scan3A_230, %jit3A_238 : i32
        %ne3A_256 = arith.constant 0 : i32
        %ne3A_257 = arith.cmpi ne, %rem3A_255, %ne3A_256 : i32
        %and3A_258 = arith.andi %ne3A_254, %ne3A_257 : i1
        %sub3A_259 = arith.constant 1 : i32
        %sub3A_260 = arith.subi %div3A_239, %sub3A_259 : i32
        %select_n3A_261 = arith.select %and3A_258, %sub3A_260, %div3A_239 : i32
        %jit3A_262 = arith.constant 8 : i32
        %eq3A_263 = arith.constant 0 : i32
        %eq3A_264 = arith.cmpi eq, %jit3A_262, %eq3A_263 : i32
        %jit3A_265 = arith.constant 1 : i32
        %select_n3A_266 = arith.select %eq3A_264, %jit3A_265, %jit3A_262 : i32
        %rem3A_267 = arith.remsi %scan3A_230, %select_n3A_266 : i32
        %ne3A_268 = arith.constant 0 : i32
        %ne3A_269 = arith.cmpi ne, %rem3A_267, %ne3A_268 : i32
        %lt3A_270 = arith.constant 0 : i32
        %lt3A_271 = arith.cmpi slt, %rem3A_267, %lt3A_270 : i32
        %lt3A_272 = arith.constant 0 : i32
        %lt3A_273 = arith.cmpi slt, %select_n3A_266, %lt3A_272 : i32
        %ne3A_274 = arith.xori %lt3A_271, %lt3A_273 : i1
        %and3A_275 = arith.andi %ne3A_274, %ne3A_269 : i1
        %add3A_276 = arith.addi %rem3A_267, %select_n3A_266 : i32
        %select_n3A_277 = arith.select %and3A_275, %add3A_276, %rem3A_267 : i32
        %mul3A_278 = arith.constant 16 : i32
        %mul3A_279 = arith.muli %select_n3A_277, %mul3A_278 : i32
        %swap3A_280 = arith.index_cast %select_n3A_261 : i32 to index
        %swap3A_281 = arith.index_cast %mul3A_279 : i32 to index
        %swap3A_282 = tpu.vector_load %arg6[%swap3A_280, %swap3A_281] {strides = array<i32>} : memref<4x128xi32, #tpu.memory_space<vmem>>, vector<1x16xi32>,
        %swap3A_283 = vector.shape_cast %swap3A_282 : vector<1x16xi32> to vector<16xi32>
        %swap3A_284 = vector.shape_cast %add3A_237 : vector<16xi32> to vector<1x16xi32>
        tpu.vector_store %arg6[%swap3A_280, %swap3A_281], %swap3A_284 {strides = array<i32>} : memref<4x128xi32, #tpu.memory_space<vmem>>, vector<1x16xi32>,
        %scan3A_285 = arith.constant 3 : i32
        %scan3A_286 = arith.addi %scan3A_122, %scan3A_285 : i32
        %mul3A_287 = arith.constant 16 : i32
        %mul3A_288 = arith.muli %scan3A_286, %mul3A_287 : i32
        %get3A_289 = arith.index_cast %mul3A_288 : i32 to index
        %get3A_290 = tpu.vector_load %arg5[%get3A_289] {strides = array<i32>} : memref<512xi32, #tpu.memory_space<vmem>>, vector<16xi32>,
        %get3A_291 = vector.shape_cast %get3A_290 : vector<16xi32> to vector<16xi32>
        %add3A_292 = vector.broadcast %mul3A_20 : i32 to vector<16xi32>
        %add3A_293 = arith.addi %get3A_291, %add3A_292 : vector<16xi32>
        %jit3A_294 = arith.constant 8 : i32
        %div3A_295 = arith.divsi %scan3A_286, %jit3A_294 : i32
        %sign3A_296 = arith.constant 0 : i32
        %sign3A_297 = arith.cmpi sgt, %scan3A_286, %sign3A_296 : i32
        %sign3A_298 = arith.extui %sign3A_297 : i1 to i32
        %sign3A_299 = arith.constant 0 : i32
        %sign3A_300 = arith.cmpi slt, %scan3A_286, %sign3A_299 : i32
        %sign3A_301 = arith.extui %sign3A_300 : i1 to i32
        %sign3A_302 = arith.subi %sign3A_298, %sign3A_301 : i32
        %sign3A_303 = arith.constant 0 : i32
        %sign3A_304 = arith.cmpi sgt, %jit3A_294, %sign3A_303 : i32
        %sign3A_305 = arith.extui %sign3A_304 : i1 to i32
        %sign3A_306 = arith.constant 0 : i32
        %sign3A_307 = arith.cmpi slt, %jit3A_294, %sign3A_306 : i32
        %sign3A_308 = arith.extui %sign3A_307 : i1 to i32
        %sign3A_309 = arith.subi %sign3A_305, %sign3A_308 : i32
        %ne3A_310 = arith.cmpi ne, %sign3A_302, %sign3A_309 : i32
        %rem3A_311 = arith.remsi %scan3A_286, %jit3A_294 : i32
        %ne3A_312 = arith.constant 0 : i32
        %ne3A_313 = arith.cmpi ne, %rem3A_311, %ne3A_312 : i32
        %and3A_314 = arith.andi %ne3A_310, %ne3A_313 : i1
        %sub3A_315 = arith.constant 1 : i32
        %sub3A_316 = arith.subi %div3A_295, %sub3A_315 : i32
        %select_n3A_317 = arith.select %and3A_314, %sub3A_316, %div3A_295 : i32
        %jit3A_318 = arith.constant 8 : i32
        %eq3A_319 = arith.constant 0 : i32
        %eq3A_320 = arith.cmpi eq, %jit3A_318, %eq3A_319 : i32
        %jit3A_321 = arith.constant 1 : i32
        %select_n3A_322 = arith.select %eq3A_320, %jit3A_321, %jit3A_318 : i32
        %rem3A_323 = arith.remsi %scan3A_286, %select_n3A_322 : i32
        %ne3A_324 = arith.constant 0 : i32
        %ne3A_325 = arith.cmpi ne, %rem3A_323, %ne3A_324 : i32
        %lt3A_326 = arith.constant 0 : i32
        %lt3A_327 = arith.cmpi slt, %rem3A_323, %lt3A_326 : i32
        %lt3A_328 = arith.constant 0 : i32
        %lt3A_329 = arith.cmpi slt, %select_n3A_322, %lt3A_328 : i32
        %ne3A_330 = arith.xori %lt3A_327, %lt3A_329 : i1
        %and3A_331 = arith.andi %ne3A_330, %ne3A_325 : i1
        %add3A_332 = arith.addi %rem3A_323, %select_n3A_322 : i32
        %select_n3A_333 = arith.select %and3A_331, %add3A_332, %rem3A_323 : i32
        %mul3A_334 = arith.constant 16 : i32
        %mul3A_335 = arith.muli %select_n3A_333, %mul3A_334 : i32
        %swap3A_336 = arith.index_cast %select_n3A_317 : i32 to index
        %swap3A_337 = arith.index_cast %mul3A_335 : i32 to index
        %swap3A_338 = tpu.vector_load %arg6[%swap3A_336, %swap3A_337] {strides = array<i32>} : memref<4x128xi32, #tpu.memory_space<vmem>>, vector<1x16xi32>,
        %swap3A_339 = vector.shape_cast %swap3A_338 : vector<1x16xi32> to vector<16xi32>
        %swap3A_340 = vector.shape_cast %add3A_293 : vector<16xi32> to vector<1x16xi32>
        tpu.vector_store %arg6[%swap3A_336, %swap3A_337], %swap3A_340 {strides = array<i32>} : memref<4x128xi32, #tpu.memory_space<vmem>>, vector<1x16xi32>,
      }
      %scan3A_37 = arith.constant 32 : i32
      %dma_start3A = arith.constant 0 : i32
      %dma_start3A_38 = arith.constant 0 : i32
      %dma_start3A_39 = arith.constant 0 : i32
      %dma_start3A_40 = tpu.memref_slice %arg7[%dma_start3A_38, %dma_start3A_39] : memref<512x128xf32, #tpu.memory_space<vmem>> -> memref<128x128xf32, #tpu.memory_space<vmem>>
      %dma_start3A_41 = arith.constant 0 : i32
      %dma_start3A_42 = tpu.memref_slice %arg6[%dma_start3A, %dma_start3A_41] : memref<4x128xi32, #tpu.memory_space<vmem>> -> memref<1x128xi32, #tpu.memory_space<vmem>>
      %dma_start3A_43 = tpu.memref_squeeze %dma_start3A_42 : memref<1x128xi32, #tpu.memory_space<vmem>> -> memref<128xi32, #tpu.memory_space<vmem>>
      %dma_start3A_44 = arith.constant 0 : i32
      %dma_start3A_45 = arith.constant 0 : i32
      %dma_start3A_46 = tpu.memref_slice %arg2[%dma_start3A_44, %dma_start3A_45] : memref<4096x128xf32, #tpu.memory_space<hbm>> -> memref<4096x128xf32, #tpu.memory_space<hbm>>
      tpu.enqueue_indirect_dma source(%dma_start3A_46 : memref<4096x128xf32, #tpu.memory_space<hbm>>) target(%dma_start3A_40 : memref<128x128xf32, #tpu.memory_space<vmem>>) offsets(%dma_start3A_43 : memref<128xi32, #tpu.memory_space<vmem>>) semaphore(%arg9 : memref<!tpu.dma_semaphore, #tpu.memory_space<semaphore_mem>>)
      %dma_start3A_47 = arith.constant 1 : i32
      %dma_start3A_48 = arith.constant 128 : i32
      %dma_start3A_49 = arith.constant 0 : i32
      %dma_start3A_50 = tpu.memref_slice %arg7[%dma_start3A_48, %dma_start3A_49] : memref<512x128xf32, #tpu.memory_space<vmem>> -> memref<128x128xf32, #tpu.memory_space<vmem>>
      %dma_start3A_51 = arith.constant 0 : i32
      %dma_start3A_52 = tpu.memref_slice %arg6[%dma_start3A_47, %dma_start3A_51] : memref<4x128xi32, #tpu.memory_space<vmem>> -> memref<1x128xi32, #tpu.memory_space<vmem>>
      %dma_start3A_53 = tpu.memref_squeeze %dma_start3A_52 : memref<1x128xi32, #tpu.memory_space<vmem>> -> memref<128xi32, #tpu.memory_space<vmem>>
      %dma_start3A_54 = arith.constant 0 : i32
      %dma_start3A_55 = arith.constant 0 : i32
      %dma_start3A_56 = tpu.memref_slice %arg2[%dma_start3A_54, %dma_start3A_55] : memref<4096x128xf32, #tpu.memory_space<hbm>> -> memref<4096x128xf32, #tpu.memory_space<hbm>>
      tpu.enqueue_indirect_dma source(%dma_start3A_56 : memref<4096x128xf32, #tpu.memory_space<hbm>>) target(%dma_start3A_50 : memref<128x128xf32, #tpu.memory_space<vmem>>) offsets(%dma_start3A_53 : memref<128xi32, #tpu.memory_space<vmem>>) semaphore(%arg9 : memref<!tpu.dma_semaphore, #tpu.memory_space<semaphore_mem>>)
      %dma_start3A_57 = arith.constant 2 : i32
      %dma_start3A_58 = arith.constant 256 : i32
      %dma_start3A_59 = arith.constant 0 : i32
      %dma_start3A_60 = tpu.memref_slice %arg7[%dma_start3A_58, %dma_start3A_59] : memref<512x128xf32, #tpu.memory_space<vmem>> -> memref<128x128xf32, #tpu.memory_space<vmem>>
      %dma_start3A_61 = arith.constant 0 : i32
      %dma_start3A_62 = tpu.memref_slice %arg6[%dma_start3A_57, %dma_start3A_61] : memref<4x128xi32, #tpu.memory_space<vmem>> -> memref<1x128xi32, #tpu.memory_space<vmem>>
      %dma_start3A_63 = tpu.memref_squeeze %dma_start3A_62 : memref<1x128xi32, #tpu.memory_space<vmem>> -> memref<128xi32, #tpu.memory_space<vmem>>
      %dma_start3A_64 = arith.constant 0 : i32
      %dma_start3A_65 = arith.constant 0 : i32
      %dma_start3A_66 = tpu.memref_slice %arg2[%dma_start3A_64, %dma_start3A_65] : memref<4096x128xf32, #tpu.memory_space<hbm>> -> memref<4096x128xf32, #tpu.memory_space<hbm>>
      tpu.enqueue_indirect_dma source(%dma_start3A_66 : memref<4096x128xf32, #tpu.memory_space<hbm>>) target(%dma_start3A_60 : memref<128x128xf32, #tpu.memory_space<vmem>>) offsets(%dma_start3A_63 : memref<128xi32, #tpu.memory_space<vmem>>) semaphore(%arg9 : memref<!tpu.dma_semaphore, #tpu.memory_space<semaphore_mem>>)
      %dma_start3A_67 = arith.constant 3 : i32
      %dma_start3A_68 = arith.constant 384 : i32
      %dma_start3A_69 = arith.constant 0 : i32
      %dma_start3A_70 = tpu.memref_slice %arg7[%dma_start3A_68, %dma_start3A_69] : memref<512x128xf32, #tpu.memory_space<vmem>> -> memref<128x128xf32, #tpu.memory_space<vmem>>
      %dma_start3A_71 = arith.constant 0 : i32
      %dma_start3A_72 = tpu.memref_slice %arg6[%dma_start3A_67, %dma_start3A_71] : memref<4x128xi32, #tpu.memory_space<vmem>> -> memref<1x128xi32, #tpu.memory_space<vmem>>
      %dma_start3A_73 = tpu.memref_squeeze %dma_start3A_72 : memref<1x128xi32, #tpu.memory_space<vmem>> -> memref<128xi32, #tpu.memory_space<vmem>>
      %dma_start3A_74 = arith.constant 0 : i32
      %dma_start3A_75 = arith.constant 0 : i32
      %dma_start3A_76 = tpu.memref_slice %arg2[%dma_start3A_74, %dma_start3A_75] : memref<4096x128xf32, #tpu.memory_space<hbm>> -> memref<4096x128xf32, #tpu.memory_space<hbm>>
      tpu.enqueue_indirect_dma source(%dma_start3A_76 : memref<4096x128xf32, #tpu.memory_space<hbm>>) target(%dma_start3A_70 : memref<128x128xf32, #tpu.memory_space<vmem>>) offsets(%dma_start3A_73 : memref<128xi32, #tpu.memory_space<vmem>>) semaphore(%arg9 : memref<!tpu.dma_semaphore, #tpu.memory_space<semaphore_mem>>)
      %dma_wait3A = arith.constant 0 : i32
      %dma_wait3A_77 = arith.constant 0 : i32
      %dma_wait3A_78 = arith.constant 0 : i32
      %dma_wait3A_79 = tpu.memref_slice %arg7[%dma_wait3A_77, %dma_wait3A_78] : memref<512x128xf32, #tpu.memory_space<vmem>> -> memref<128x128xf32, #tpu.memory_space<vmem>>
      %dma_wait3A_80 = arith.constant 0 : i32
      %dma_wait3A_81 = tpu.memref_slice %arg6[%dma_wait3A, %dma_wait3A_80] : memref<4x128xi32, #tpu.memory_space<vmem>> -> memref<1x128xi32, #tpu.memory_space<vmem>>
      %dma_wait3A_82 = tpu.memref_squeeze %dma_wait3A_81 : memref<1x128xi32, #tpu.memory_space<vmem>> -> memref<128xi32, #tpu.memory_space<vmem>>
      %dma_wait3A_83 = arith.constant 0 : i32
      %dma_wait3A_84 = arith.constant 0 : i32
      %dma_wait3A_85 = tpu.memref_slice %arg2[%dma_wait3A_83, %dma_wait3A_84] : memref<4096x128xf32, #tpu.memory_space<hbm>> -> memref<4096x128xf32, #tpu.memory_space<hbm>>
      tpu.wait_indirect_dma semaphore(%arg9 : memref<!tpu.dma_semaphore, #tpu.memory_space<semaphore_mem>>) src(%dma_wait3A_85 : memref<4096x128xf32, #tpu.memory_space<hbm>>) dst(%dma_wait3A_79 : memref<128x128xf32, #tpu.memory_space<vmem>>)
      %dma_wait3A_86 = arith.constant 1 : i32
      %dma_wait3A_87 = arith.constant 128 : i32
      %dma_wait3A_88 = arith.constant 0 : i32
      %dma_wait3A_89 = tpu.memref_slice %arg7[%dma_wait3A_87, %dma_wait3A_88] : memref<512x128xf32, #tpu.memory_space<vmem>> -> memref<128x128xf32, #tpu.memory_space<vmem>>
      %dma_wait3A_90 = arith.constant 0 : i32
      %dma_wait3A_91 = tpu.memref_slice %arg6[%dma_wait3A_86, %dma_wait3A_90] : memref<4x128xi32, #tpu.memory_space<vmem>> -> memref<1x128xi32, #tpu.memory_space<vmem>>
      %dma_wait3A_92 = tpu.memref_squeeze %dma_wait3A_91 : memref<1x128xi32, #tpu.memory_space<vmem>> -> memref<128xi32, #tpu.memory_space<vmem>>
      %dma_wait3A_93 = arith.constant 0 : i32
      %dma_wait3A_94 = arith.constant 0 : i32
      %dma_wait3A_95 = tpu.memref_slice %arg2[%dma_wait3A_93, %dma_wait3A_94] : memref<4096x128xf32, #tpu.memory_space<hbm>> -> memref<4096x128xf32, #tpu.memory_space<hbm>>
      tpu.wait_indirect_dma semaphore(%arg9 : memref<!tpu.dma_semaphore, #tpu.memory_space<semaphore_mem>>) src(%dma_wait3A_95 : memref<4096x128xf32, #tpu.memory_space<hbm>>) dst(%dma_wait3A_89 : memref<128x128xf32, #tpu.memory_space<vmem>>)
      %dma_wait3A_96 = arith.constant 2 : i32
      %dma_wait3A_97 = arith.constant 256 : i32
      %dma_wait3A_98 = arith.constant 0 : i32
      %dma_wait3A_99 = tpu.memref_slice %arg7[%dma_wait3A_97, %dma_wait3A_98] : memref<512x128xf32, #tpu.memory_space<vmem>> -> memref<128x128xf32, #tpu.memory_space<vmem>>
      %dma_wait3A_100 = arith.constant 0 : i32
      %dma_wait3A_101 = tpu.memref_slice %arg6[%dma_wait3A_96, %dma_wait3A_100] : memref<4x128xi32, #tpu.memory_space<vmem>> -> memref<1x128xi32, #tpu.memory_space<vmem>>
      %dma_wait3A_102 = tpu.memref_squeeze %dma_wait3A_101 : memref<1x128xi32, #tpu.memory_space<vmem>> -> memref<128xi32, #tpu.memory_space<vmem>>
      %dma_wait3A_103 = arith.constant 0 : i32
      %dma_wait3A_104 = arith.constant 0 : i32
      %dma_wait3A_105 = tpu.memref_slice %arg2[%dma_wait3A_103, %dma_wait3A_104] : memref<4096x128xf32, #tpu.memory_space<hbm>> -> memref<4096x128xf32, #tpu.memory_space<hbm>>
      tpu.wait_indirect_dma semaphore(%arg9 : memref<!tpu.dma_semaphore, #tpu.memory_space<semaphore_mem>>) src(%dma_wait3A_105 : memref<4096x128xf32, #tpu.memory_space<hbm>>) dst(%dma_wait3A_99 : memref<128x128xf32, #tpu.memory_space<vmem>>)
      %dma_wait3A_106 = arith.constant 3 : i32
      %dma_wait3A_107 = arith.constant 384 : i32
      %dma_wait3A_108 = arith.constant 0 : i32
      %dma_wait3A_109 = tpu.memref_slice %arg7[%dma_wait3A_107, %dma_wait3A_108] : memref<512x128xf32, #tpu.memory_space<vmem>> -> memref<128x128xf32, #tpu.memory_space<vmem>>
      %dma_wait3A_110 = arith.constant 0 : i32
      %dma_wait3A_111 = tpu.memref_slice %arg6[%dma_wait3A_106, %dma_wait3A_110] : memref<4x128xi32, #tpu.memory_space<vmem>> -> memref<1x128xi32, #tpu.memory_space<vmem>>
      %dma_wait3A_112 = tpu.memref_squeeze %dma_wait3A_111 : memref<1x128xi32, #tpu.memory_space<vmem>> -> memref<128xi32, #tpu.memory_space<vmem>>
      %dma_wait3A_113 = arith.constant 0 : i32
      %dma_wait3A_114 = arith.constant 0 : i32
      %dma_wait3A_115 = tpu.memref_slice %arg2[%dma_wait3A_113, %dma_wait3A_114] : memref<4096x128xf32, #tpu.memory_space<hbm>> -> memref<4096x128xf32, #tpu.memory_space<hbm>>
      tpu.wait_indirect_dma semaphore(%arg9 : memref<!tpu.dma_semaphore, #tpu.memory_space<semaphore_mem>>) src(%dma_wait3A_115 : memref<4096x128xf32, #tpu.memory_space<hbm>>) dst(%dma_wait3A_109 : memref<128x128xf32, #tpu.memory_space<vmem>>)
      %scan3A_116 = arith.constant 0 : i32
      %scan3A_117 = arith.constant 0 : i32
      %scan3A_118 = arith.constant 256 : i32
      %scan3A_119 = arith.addi %scan3A_117, %scan3A_118 : i32
      %scan3A_120 = arith.constant 2 : i32
      scf.for %scan3A_122 = %scan3A_117 to %scan3A_119 step %scan3A_120  : i32 {
        %mul3A_123 = arith.constant 2 : i32
        %mul3A_124 = arith.muli %mul3A_123, %scan3A_122 : i32
        %get3A = arith.index_cast %mul3A_124 : i32 to index
        %get3A_125 = arith.constant 0 : index
        %get3A_126 = tpu.vector_load %arg7[%get3A, %get3A_125] {strides = array<i32>} : memref<512x128xf32, #tpu.memory_space<vmem>>, vector<1x16xf32>,
        %get3A_127 = vector.shape_cast %get3A_126 : vector<1x16xf32> to vector<16xf32>
        %mul3A_128 = arith.constant 2 : i32
        %mul3A_129 = arith.muli %mul3A_128, %scan3A_122 : i32
        %add3A_130 = arith.constant 1 : i32
        %add3A_131 = arith.addi %mul3A_129, %add3A_130 : i32
        %get3A_132 = arith.index_cast %add3A_131 : i32 to index
        %get3A_133 = arith.constant 64 : index
        %get3A_134 = tpu.vector_load %arg7[%get3A_132, %get3A_133] {strides = array<i32>} : memref<512x128xf32, #tpu.memory_space<vmem>>, vector<1x16xf32>,
        %get3A_135 = vector.shape_cast %get3A_134 : vector<1x16xf32> to vector<16xf32>
        %add3A_136 = arith.addf %get3A_127, %get3A_135 : vector<16xf32>
        %swap3A = arith.index_cast %scan3A_122 : i32 to index
        %swap3A_137 = arith.constant 0 : index
        %swap3A_138 = tpu.vector_load %arg8[%swap3A, %swap3A_137] {strides = array<i32>} : memref<256x64xf32, #tpu.memory_space<vmem>>, vector<1x16xf32>,
        %swap3A_139 = vector.shape_cast %swap3A_138 : vector<1x16xf32> to vector<16xf32>
        %swap3A_140 = vector.shape_cast %add3A_136 : vector<16xf32> to vector<1x16xf32>
        tpu.vector_store %arg8[%swap3A, %swap3A_137], %swap3A_140 {strides = array<i32>} : memref<256x64xf32, #tpu.memory_space<vmem>>, vector<1x16xf32>,
        %mul3A_141 = arith.constant 2 : i32
        %mul3A_142 = arith.muli %mul3A_141, %scan3A_122 : i32
        %get3A_143 = arith.index_cast %mul3A_142 : i32 to index
        %get3A_144 = arith.constant 16 : index
        %get3A_145 = tpu.vector_load %arg7[%get3A_143, %get3A_144] {strides = array<i32>} : memref<512x128xf32, #tpu.memory_space<vmem>>, vector<1x16xf32>,
        %get3A_146 = vector.shape_cast %get3A_145 : vector<1x16xf32> to vector<16xf32>
        %mul3A_147 = arith.constant 2 : i32
        %mul3A_148 = arith.muli %mul3A_147, %scan3A_122 : i32
        %add3A_149 = arith.constant 1 : i32
        %add3A_150 = arith.addi %mul3A_148, %add3A_149 : i32
        %get3A_151 = arith.index_cast %add3A_150 : i32 to index
        %get3A_152 = arith.constant 80 : index
        %get3A_153 = tpu.vector_load %arg7[%get3A_151, %get3A_152] {strides = array<i32>} : memref<512x128xf32, #tpu.memory_space<vmem>>, vector<1x16xf32>,
        %get3A_154 = vector.shape_cast %get3A_153 : vector<1x16xf32> to vector<16xf32>
        %add3A_155 = arith.addf %get3A_146, %get3A_154 : vector<16xf32>
        %swap3A_156 = arith.index_cast %scan3A_122 : i32 to index
        %swap3A_157 = arith.constant 16 : index
        %swap3A_158 = tpu.vector_load %arg8[%swap3A_156, %swap3A_157] {strides = array<i32>} : memref<256x64xf32, #tpu.memory_space<vmem>>, vector<1x16xf32>,
        %swap3A_159 = vector.shape_cast %swap3A_158 : vector<1x16xf32> to vector<16xf32>
        %swap3A_160 = vector.shape_cast %add3A_155 : vector<16xf32> to vector<1x16xf32>
        tpu.vector_store %arg8[%swap3A_156, %swap3A_157], %swap3A_160 {strides = array<i32>} : memref<256x64xf32, #tpu.memory_space<vmem>>, vector<1x16xf32>,
        %mul3A_161 = arith.constant 2 : i32
        %mul3A_162 = arith.muli %mul3A_161, %scan3A_122 : i32
        %get3A_163 = arith.index_cast %mul3A_162 : i32 to index
        %get3A_164 = arith.constant 32 : index
        %get3A_165 = tpu.vector_load %arg7[%get3A_163, %get3A_164] {strides = array<i32>} : memref<512x128xf32, #tpu.memory_space<vmem>>, vector<1x16xf32>,
        %get3A_166 = vector.shape_cast %get3A_165 : vector<1x16xf32> to vector<16xf32>
        %mul3A_167 = arith.constant 2 : i32
        %mul3A_168 = arith.muli %mul3A_167, %scan3A_122 : i32
        %add3A_169 = arith.constant 1 : i32
        %add3A_170 = arith.addi %mul3A_168, %add3A_169 : i32
        %get3A_171 = arith.index_cast %add3A_170 : i32 to index
        %get3A_172 = arith.constant 96 : index
        %get3A_173 = tpu.vector_load %arg7[%get3A_171, %get3A_172] {strides = array<i32>} : memref<512x128xf32, #tpu.memory_space<vmem>>, vector<1x16xf32>,
        %get3A_174 = vector.shape_cast %get3A_173 : vector<1x16xf32> to vector<16xf32>
        %add3A_175 = arith.addf %get3A_166, %get3A_174 : vector<16xf32>
        %swap3A_176 = arith.index_cast %scan3A_122 : i32 to index
        %swap3A_177 = arith.constant 32 : index
        %swap3A_178 = tpu.vector_load %arg8[%swap3A_176, %swap3A_177] {strides = array<i32>} : memref<256x64xf32, #tpu.memory_space<vmem>>, vector<1x16xf32>,
        %swap3A_179 = vector.shape_cast %swap3A_178 : vector<1x16xf32> to vector<16xf32>
        %swap3A_180 = vector.shape_cast %add3A_175 : vector<16xf32> to vector<1x16xf32>
        tpu.vector_store %arg8[%swap3A_176, %swap3A_177], %swap3A_180 {strides = array<i32>} : memref<256x64xf32, #tpu.memory_space<vmem>>, vector<1x16xf32>,
        %mul3A_181 = arith.constant 2 : i32
        %mul3A_182 = arith.muli %mul3A_181, %scan3A_122 : i32
        %get3A_183 = arith.index_cast %mul3A_182 : i32 to index
        %get3A_184 = arith.constant 48 : index
        %get3A_185 = tpu.vector_load %arg7[%get3A_183, %get3A_184] {strides = array<i32>} : memref<512x128xf32, #tpu.memory_space<vmem>>, vector<1x16xf32>,
        %get3A_186 = vector.shape_cast %get3A_185 : vector<1x16xf32> to vector<16xf32>
        %mul3A_187 = arith.constant 2 : i32
        %mul3A_188 = arith.muli %mul3A_187, %scan3A_122 : i32
        %add3A_189 = arith.constant 1 : i32
        %add3A_190 = arith.addi %mul3A_188, %add3A_189 : i32
        %get3A_191 = arith.index_cast %add3A_190 : i32 to index
        %get3A_192 = arith.constant 112 : index
        %get3A_193 = tpu.vector_load %arg7[%get3A_191, %get3A_192] {strides = array<i32>} : memref<512x128xf32, #tpu.memory_space<vmem>>, vector<1x16xf32>,
        %get3A_194 = vector.shape_cast %get3A_193 : vector<1x16xf32> to vector<16xf32>
        %add3A_195 = arith.addf %get3A_186, %get3A_194 : vector<16xf32>
        %swap3A_196 = arith.index_cast %scan3A_122 : i32 to index
        %swap3A_197 = arith.constant 48 : index
        %swap3A_198 = tpu.vector_load %arg8[%swap3A_196, %swap3A_197] {strides = array<i32>} : memref<256x64xf32, #tpu.memory_space<vmem>>, vector<1x16xf32>,
        %swap3A_199 = vector.shape_cast %swap3A_198 : vector<1x16xf32> to vector<16xf32>
        %swap3A_200 = vector.shape_cast %add3A_195 : vector<16xf32> to vector<1x16xf32>
        tpu.vector_store %arg8[%swap3A_196, %swap3A_197], %swap3A_200 {strides = array<i32>} : memref<256x64xf32, #tpu.memory_space<vmem>>, vector<1x16xf32>,
        %scan3A_201 = arith.constant 1 : i32
        %scan3A_202 = arith.addi %scan3A_122, %scan3A_201 : i32
        %mul3A_203 = arith.constant 2 : i32
        %mul3A_204 = arith.muli %mul3A_203, %scan3A_202 : i32
        %get3A_205 = arith.index_cast %mul3A_204 : i32 to index
        %get3A_206 = arith.constant 0 : index
        %get3A_207 = tpu.vector_load %arg7[%get3A_205, %get3A_206] {strides = array<i32>} : memref<512x128xf32, #tpu.memory_space<vmem>>, vector<1x16xf32>,
        %get3A_208 = vector.shape_cast %get3A_207 : vector<1x16xf32> to vector<16xf32>
        %mul3A_209 = arith.constant 2 : i32
        %mul3A_210 = arith.muli %mul3A_209, %scan3A_202 : i32
        %add3A_211 = arith.constant 1 : i32
        %add3A_212 = arith.addi %mul3A_210, %add3A_211 : i32
        %get3A_213 = arith.index_cast %add3A_212 : i32 to index
        %get3A_214 = arith.constant 64 : index
        %get3A_215 = tpu.vector_load %arg7[%get3A_213, %get3A_214] {strides = array<i32>} : memref<512x128xf32, #tpu.memory_space<vmem>>, vector<1x16xf32>,
        %get3A_216 = vector.shape_cast %get3A_215 : vector<1x16xf32> to vector<16xf32>
        %add3A_217 = arith.addf %get3A_208, %get3A_216 : vector<16xf32>
        %swap3A_218 = arith.index_cast %scan3A_202 : i32 to index
        %swap3A_219 = arith.constant 0 : index
        %swap3A_220 = tpu.vector_load %arg8[%swap3A_218, %swap3A_219] {strides = array<i32>} : memref<256x64xf32, #tpu.memory_space<vmem>>, vector<1x16xf32>,
        %swap3A_221 = vector.shape_cast %swap3A_220 : vector<1x16xf32> to vector<16xf32>
        %swap3A_222 = vector.shape_cast %add3A_217 : vector<16xf32> to vector<1x16xf32>
        tpu.vector_store %arg8[%swap3A_218, %swap3A_219], %swap3A_222 {strides = array<i32>} : memref<256x64xf32, #tpu.memory_space<vmem>>, vector<1x16xf32>,
        %mul3A_223 = arith.constant 2 : i32
        %mul3A_224 = arith.muli %mul3A_223, %scan3A_202 : i32
        %get3A_225 = arith.index_cast %mul3A_224 : i32 to index
        %get3A_226 = arith.constant 16 : index
        %get3A_227 = tpu.vector_load %arg7[%get3A_225, %get3A_226] {strides = array<i32>} : memref<512x128xf32, #tpu.memory_space<vmem>>, vector<1x16xf32>,
        %get3A_228 = vector.shape_cast %get3A_227 : vector<1x16xf32> to vector<16xf32>
        %mul3A_229 = arith.constant 2 : i32
        %mul3A_230 = arith.muli %mul3A_229, %scan3A_202 : i32
        %add3A_231 = arith.constant 1 : i32
        %add3A_232 = arith.addi %mul3A_230, %add3A_231 : i32
        %get3A_233 = arith.index_cast %add3A_232 : i32 to index
        %get3A_234 = arith.constant 80 : index
        %get3A_235 = tpu.vector_load %arg7[%get3A_233, %get3A_234] {strides = array<i32>} : memref<512x128xf32, #tpu.memory_space<vmem>>, vector<1x16xf32>,
        %get3A_236 = vector.shape_cast %get3A_235 : vector<1x16xf32> to vector<16xf32>
        %add3A_237 = arith.addf %get3A_228, %get3A_236 : vector<16xf32>
        %swap3A_238 = arith.index_cast %scan3A_202 : i32 to index
        %swap3A_239 = arith.constant 16 : index
        %swap3A_240 = tpu.vector_load %arg8[%swap3A_238, %swap3A_239] {strides = array<i32>} : memref<256x64xf32, #tpu.memory_space<vmem>>, vector<1x16xf32>,
        %swap3A_241 = vector.shape_cast %swap3A_240 : vector<1x16xf32> to vector<16xf32>
        %swap3A_242 = vector.shape_cast %add3A_237 : vector<16xf32> to vector<1x16xf32>
        tpu.vector_store %arg8[%swap3A_238, %swap3A_239], %swap3A_242 {strides = array<i32>} : memref<256x64xf32, #tpu.memory_space<vmem>>, vector<1x16xf32>,
        %mul3A_243 = arith.constant 2 : i32
        %mul3A_244 = arith.muli %mul3A_243, %scan3A_202 : i32
        %get3A_245 = arith.index_cast %mul3A_244 : i32 to index
        %get3A_246 = arith.constant 32 : index
        %get3A_247 = tpu.vector_load %arg7[%get3A_245, %get3A_246] {strides = array<i32>} : memref<512x128xf32, #tpu.memory_space<vmem>>, vector<1x16xf32>,
        %get3A_248 = vector.shape_cast %get3A_247 : vector<1x16xf32> to vector<16xf32>
        %mul3A_249 = arith.constant 2 : i32
        %mul3A_250 = arith.muli %mul3A_249, %scan3A_202 : i32
        %add3A_251 = arith.constant 1 : i32
        %add3A_252 = arith.addi %mul3A_250, %add3A_251 : i32
        %get3A_253 = arith.index_cast %add3A_252 : i32 to index
        %get3A_254 = arith.constant 96 : index
        %get3A_255 = tpu.vector_load %arg7[%get3A_253, %get3A_254] {strides = array<i32>} : memref<512x128xf32, #tpu.memory_space<vmem>>, vector<1x16xf32>,
        %get3A_256 = vector.shape_cast %get3A_255 : vector<1x16xf32> to vector<16xf32>
        %add3A_257 = arith.addf %get3A_248, %get3A_256 : vector<16xf32>
        %swap3A_258 = arith.index_cast %scan3A_202 : i32 to index
        %swap3A_259 = arith.constant 32 : index
        %swap3A_260 = tpu.vector_load %arg8[%swap3A_258, %swap3A_259] {strides = array<i32>} : memref<256x64xf32, #tpu.memory_space<vmem>>, vector<1x16xf32>,
        %swap3A_261 = vector.shape_cast %swap3A_260 : vector<1x16xf32> to vector<16xf32>
        %swap3A_262 = vector.shape_cast %add3A_257 : vector<16xf32> to vector<1x16xf32>
        tpu.vector_store %arg8[%swap3A_258, %swap3A_259], %swap3A_262 {strides = array<i32>} : memref<256x64xf32, #tpu.memory_space<vmem>>, vector<1x16xf32>,
        %mul3A_263 = arith.constant 2 : i32
        %mul3A_264 = arith.muli %mul3A_263, %scan3A_202 : i32
        %get3A_265 = arith.index_cast %mul3A_264 : i32 to index
        %get3A_266 = arith.constant 48 : index
        %get3A_267 = tpu.vector_load %arg7[%get3A_265, %get3A_266] {strides = array<i32>} : memref<512x128xf32, #tpu.memory_space<vmem>>, vector<1x16xf32>,
        %get3A_268 = vector.shape_cast %get3A_267 : vector<1x16xf32> to vector<16xf32>
        %mul3A_269 = arith.constant 2 : i32
        %mul3A_270 = arith.muli %mul3A_269, %scan3A_202 : i32
        %add3A_271 = arith.constant 1 : i32
        %add3A_272 = arith.addi %mul3A_270, %add3A_271 : i32
        %get3A_273 = arith.index_cast %add3A_272 : i32 to index
        %get3A_274 = arith.constant 112 : index
        %get3A_275 = tpu.vector_load %arg7[%get3A_273, %get3A_274] {strides = array<i32>} : memref<512x128xf32, #tpu.memory_space<vmem>>, vector<1x16xf32>,
        %get3A_276 = vector.shape_cast %get3A_275 : vector<1x16xf32> to vector<16xf32>
        %add3A_277 = arith.addf %get3A_268, %get3A_276 : vector<16xf32>
        %swap3A_278 = arith.index_cast %scan3A_202 : i32 to index
        %swap3A_279 = arith.constant 48 : index
        %swap3A_280 = tpu.vector_load %arg8[%swap3A_278, %swap3A_279] {strides = array<i32>} : memref<256x64xf32, #tpu.memory_space<vmem>>, vector<1x16xf32>,
        %swap3A_281 = vector.shape_cast %swap3A_280 : vector<1x16xf32> to vector<16xf32>
        %swap3A_282 = vector.shape_cast %add3A_277 : vector<16xf32> to vector<1x16xf32>
        tpu.vector_store %arg8[%swap3A_278, %swap3A_279], %swap3A_282 {strides = array<i32>} : memref<256x64xf32, #tpu.memory_space<vmem>>, vector<1x16xf32>,
      }
      %scan3A_121 = arith.constant 256 : i32
      "tpu.region"() ({
        %run_scoped3A = tpu.sem_alloc : memref<!tpu.dma_semaphore, #tpu.memory_space<semaphore_mem>>
        %dma_start3A_122 = arith.constant 0 : i32
        %dma_start3A_123 = tpu.memref_slice %arg4[%add3A_29, %dma_start3A_122] : memref<524288x64xf32, #tpu.memory_space<hbm>> -> memref<256x64xf32, #tpu.memory_space<hbm>>
        %dma_start3A_124 = arith.constant 0 : i32
        %dma_start3A_125 = tpu.memref_slice %arg4[%add3A_29, %dma_start3A_124] : memref<524288x64xf32, #tpu.memory_space<hbm>> -> memref<256x64xf32, #tpu.memory_space<hbm>>
        tpu.enqueue_dma source(%arg8 : memref<256x64xf32, #tpu.memory_space<vmem>>) target(%dma_start3A_125 : memref<256x64xf32, #tpu.memory_space<hbm>>) target_semaphore(%run_scoped3A : memref<!tpu.dma_semaphore, #tpu.memory_space<semaphore_mem>>)
        %dma_wait3A_126 = arith.constant 0 : i32
        %dma_wait3A_127 = tpu.memref_slice %arg4[%add3A_29, %dma_wait3A_126] : memref<524288x64xf32, #tpu.memory_space<hbm>> -> memref<256x64xf32, #tpu.memory_space<hbm>>
        %dma_wait3A_128 = arith.constant 0 : i32
        %dma_wait3A_129 = tpu.memref_slice %arg4[%add3A_29, %dma_wait3A_128] : memref<524288x64xf32, #tpu.memory_space<hbm>> -> memref<256x64xf32, #tpu.memory_space<hbm>>
        tpu.wait_dma2 semaphore(%run_scoped3A : memref<!tpu.dma_semaphore, #tpu.memory_space<semaphore_mem>>) src(%arg8 : memref<256x64xf32, #tpu.memory_space<vmem>>) dst(%dma_wait3A_129 : memref<256x64xf32, #tpu.memory_space<hbm>>)
        tpu.yield
      }) : () -> ()
    }
    %scan3A_25 = arith.constant 64 : i32
    return
  }
}

module attributes {stable_mosaic.version = 14 : i64} {
  func.func @_prep_body(%arg0: i32, %arg1: memref<1x512x64xf32, #tpu.memory_space<vmem>>, %arg2: memref<132x64xf32, #tpu.memory_space<vmem>>, %arg3: memref<1x512x128xf32, #tpu.memory_space<vmem>>) attributes {dimension_semantics = [#tpu.dimension_semantics<arbitrary>], iteration_bounds = array<i64: 8>, scalar_prefetch = 0 : i64, scratch_operands = 0 : i64, tpu.core_type = #tpu.core_type<tc>, window_params = [{transform_indices = @transform_0, window_bounds = array<i64: 1, 512, 64>}, {pipeline_mode = #tpu.pipeline_mode<synchronous>, transform_indices = @transform_1, window_bounds = array<i64: 132, 64>}, {transform_indices = @transform_2, window_bounds = array<i64: 1, 512, 128>}]} {
    %get3A = arith.constant 0 : index
    %get3A_0 = arith.constant 0 : index
    %get3A_1 = arith.constant 0 : index
    %get3A_2 = vector.load %arg1[%get3A, %get3A_0, %get3A_1] : memref<1x512x64xf32, #tpu.memory_space<vmem>>, vector<1x512x64xf32>
    %get3A_3 = vector.shape_cast %get3A_2 : vector<1x512x64xf32> to vector<512x64xf32>
    %get3A_4 = arith.constant 0 : index
    %get3A_5 = arith.constant 0 : index
    %get3A_6 = vector.load %arg2[%get3A_4, %get3A_5] : memref<132x64xf32, #tpu.memory_space<vmem>>, vector<64x64xf32>
    %dot_general3A = arith.constant dense<0.000000e+00> : vector<512x64xf32>
    %dot_general3A_7 = tpu.matmul %get3A_3, %get3A_6, %dot_general3A {dimension_numbers = #tpu.dot_dimension_numbers<[1], [0], [0], [1], [0, 0, 1, 1], [], []>, transpose_lhs_hint = false} : vector<512x64xf32>, vector<64x64xf32>, vector<512x64xf32> -> vector<512x64xf32>
    %swap3A = arith.constant 0 : index
    %swap3A_8 = arith.constant 0 : index
    %swap3A_9 = arith.constant 0 : index
    %swap3A_10 = vector.load %arg3[%swap3A, %swap3A_8, %swap3A_9] : memref<1x512x128xf32, #tpu.memory_space<vmem>>, vector<1x512x64xf32>
    %swap3A_11 = vector.shape_cast %swap3A_10 : vector<1x512x64xf32> to vector<512x64xf32>
    %swap3A_12 = vector.shape_cast %dot_general3A_7 : vector<512x64xf32> to vector<1x512x64xf32>
    tpu.vector_store %arg3[%swap3A, %swap3A_8, %swap3A_9], %swap3A_12 {strides = array<i32>} : memref<1x512x128xf32, #tpu.memory_space<vmem>>, vector<1x512x64xf32>,
    %get3A_13 = arith.constant 64 : index
    %get3A_14 = arith.constant 0 : index
    %get3A_15 = vector.load %arg2[%get3A_13, %get3A_14] : memref<132x64xf32, #tpu.memory_space<vmem>>, vector<64x64xf32>
    %dot_general3A_16 = arith.constant dense<0.000000e+00> : vector<512x64xf32>
    %dot_general3A_17 = tpu.matmul %get3A_3, %get3A_15, %dot_general3A_16 {dimension_numbers = #tpu.dot_dimension_numbers<[1], [0], [0], [1], [0, 0, 1, 1], [], []>, transpose_lhs_hint = false} : vector<512x64xf32>, vector<64x64xf32>, vector<512x64xf32> -> vector<512x64xf32>
    %swap3A_18 = arith.constant 0 : index
    %swap3A_19 = arith.constant 0 : index
    %swap3A_20 = arith.constant 64 : index
    %swap3A_21 = vector.load %arg3[%swap3A_18, %swap3A_19, %swap3A_20] : memref<1x512x128xf32, #tpu.memory_space<vmem>>, vector<1x512x64xf32>
    %swap3A_22 = vector.shape_cast %swap3A_21 : vector<1x512x64xf32> to vector<512x64xf32>
    %swap3A_23 = vector.shape_cast %dot_general3A_17 : vector<512x64xf32> to vector<1x512x64xf32>
    tpu.vector_store %arg3[%swap3A_18, %swap3A_19, %swap3A_20], %swap3A_23 {strides = array<i32>} : memref<1x512x128xf32, #tpu.memory_space<vmem>>, vector<1x512x64xf32>,
    return
  }
  func.func @transform_0(%arg0: i32) -> (i32, i32, i32) {
    %c0_i32 = arith.constant 0 : i32
    %c0_i32_0 = arith.constant 0 : i32
    %c0_i32_1 = arith.constant 0 : i32
    return %arg0, %c0_i32, %c0_i32_0 : i32, i32, i32
  }
  func.func @transform_1(%arg0: i32) -> (i32, i32) {
    %c0_i32 = arith.constant 0 : i32
    %c0_i32_0 = arith.constant 0 : i32
    %c0_i32_1 = arith.constant 0 : i32
    return %c0_i32, %c0_i32_0 : i32, i32
  }
  func.func @transform_2(%arg0: i32) -> (i32, i32, i32) {
    %c0_i32 = arith.constant 0 : i32
    %c0_i32_0 = arith.constant 0 : i32
    %c0_i32_1 = arith.constant 0 : i32
    return %arg0, %c0_i32, %c0_i32_0 : i32, i32, i32
  }
}

module attributes {stable_mosaic.version = 14 : i64} {
  func.func @_edge_body(%arg0: i32, %arg1: i32, %arg2: memref<1x512x64xf32, #tpu.memory_space<vmem>>, %arg3: memref<1x512x4xf32, #tpu.memory_space<vmem>>, %arg4: memref<1x1x1x512xf32, #tpu.memory_space<vmem>>, %arg5: memref<1x1x1x512xi32, #tpu.memory_space<vmem>>, %arg6: memref<4x64xf32, #tpu.memory_space<vmem>>, %arg7: memref<1x64xf32, #tpu.memory_space<vmem>>, %arg8: memref<1x64xf32, #tpu.memory_space<vmem>>, %arg9: memref<1x64xf32, #tpu.memory_space<vmem>>, %arg10: memref<1x1xf32, #tpu.memory_space<vmem>>, %arg11: memref<1x1xf32, #tpu.memory_space<vmem>>, %arg12: memref<1x512x64xf32, #tpu.memory_space<vmem>>, %arg13: memref<1x1x1x512xf32, #tpu.memory_space<vmem>>, %arg14: memref<1x512x64xf32, #tpu.memory_space<vmem>>) attributes {dimension_semantics = [#tpu.dimension_semantics<arbitrary>, #tpu.dimension_semantics<arbitrary>], iteration_bounds = array<i64: 8, 128>, scalar_prefetch = 0 : i64, scratch_operands = 0 : i64, tpu.core_type = #tpu.core_type<tc>, window_params = [{transform_indices = @transform_0, window_bounds = array<i64: 1, 512, 64>}, {transform_indices = @transform_1, window_bounds = array<i64: 1, 512, 4>}, {transform_indices = @transform_2, window_bounds = array<i64: 1, 1, 1, 512>}, {transform_indices = @transform_3, window_bounds = array<i64: 1, 1, 1, 512>}, {pipeline_mode = #tpu.pipeline_mode<synchronous>, transform_indices = @transform_4, window_bounds = array<i64: 4, 64>}, {pipeline_mode = #tpu.pipeline_mode<synchronous>, transform_indices = @transform_5, window_bounds = array<i64: 1, 64>}, {pipeline_mode = #tpu.pipeline_mode<synchronous>, transform_indices = @transform_6, window_bounds = array<i64: 1, 64>}, {pipeline_mode = #tpu.pipeline_mode<synchronous>, transform_indices = @transform_7, window_bounds = array<i64: 1, 64>}, {pipeline_mode = #tpu.pipeline_mode<synchronous>, transform_indices = @transform_8, window_bounds = array<i64: 1, 1>}, {pipeline_mode = #tpu.pipeline_mode<synchronous>, transform_indices = @transform_9, window_bounds = array<i64: 1, 1>}, {transform_indices = @transform_10, window_bounds = array<i64: 1, 512, 64>}, {transform_indices = @transform_11, window_bounds = array<i64: 1, 1, 1, 512>}, {transform_indices = @transform_12, window_bounds = array<i64: 1, 512, 64>}]} {
    %get3A = arith.constant 0 : index
    %get3A_0 = arith.constant 0 : index
    %get3A_1 = arith.constant 0 : index
    %get3A_2 = vector.load %arg3[%get3A, %get3A_0, %get3A_1] : memref<1x512x4xf32, #tpu.memory_space<vmem>>, vector<1x512x4xf32>
    %get3A_3 = vector.shape_cast %get3A_2 : vector<1x512x4xf32> to vector<512x4xf32>
    %get3A_4 = arith.constant 0 : index
    %get3A_5 = arith.constant 0 : index
    %get3A_6 = vector.load %arg6[%get3A_4, %get3A_5] : memref<4x64xf32, #tpu.memory_space<vmem>>, vector<4x64xf32>
    %dot_general3A = arith.constant dense<0.000000e+00> : vector<512x64xf32>
    %dot_general3A_7 = tpu.matmul %get3A_3, %get3A_6, %dot_general3A {dimension_numbers = #tpu.dot_dimension_numbers<[1], [0], [0], [1], [0, 0, 1, 1], [], []>, transpose_lhs_hint = false} : vector<512x4xf32>, vector<4x64xf32>, vector<512x64xf32> -> vector<512x64xf32>
    %get3A_8 = arith.constant 0 : index
    %get3A_9 = arith.constant 0 : index
    %get3A_10 = arith.constant 0 : index
    %get3A_11 = vector.load %arg2[%get3A_8, %get3A_9, %get3A_10] : memref<1x512x64xf32, #tpu.memory_space<vmem>>, vector<1x512x64xf32>
    %get3A_12 = vector.shape_cast %get3A_11 : vector<1x512x64xf32> to vector<512x64xf32>
    %add3A = arith.addf %get3A_12, %dot_general3A_7 : vector<512x64xf32>
    %get3A_13 = arith.constant 0 : index
    %get3A_14 = arith.constant 0 : index
    %get3A_15 = vector.load %arg7[%get3A_13, %get3A_14] : memref<1x64xf32, #tpu.memory_space<vmem>>, vector<1x64xf32>
    %get3A_16 = vector.shape_cast %get3A_15 : vector<1x64xf32> to vector<64xf32>
    %broadcast_in_dim3A = vector.shape_cast %get3A_16 : vector<64xf32> to vector<1x64xf32>
    %add3A_17 = vector.broadcast %broadcast_in_dim3A : vector<1x64xf32> to vector<512x64xf32>
    %add3A_18 = arith.addf %add3A, %add3A_17 : vector<512x64xf32>
    %mul3A = arith.constant 5.000000e-01 : f32
    %mul3A_19 = vector.broadcast %mul3A : f32 to vector<512x64xf32>
    %mul3A_20 = arith.mulf %mul3A_19, %add3A_18 : vector<512x64xf32>
    %mul3A_21 = arith.constant 0.707106769 : f32
    %mul3A_22 = vector.broadcast %mul3A_21 : f32 to vector<512x64xf32>
    %mul3A_23 = arith.mulf %add3A_18, %mul3A_22 : vector<512x64xf32>
    %abs3A = math.absf %mul3A_23 : vector<512x64xf32>
    %mul3A_24 = arith.constant 0.327591091 : f32
    %mul3A_25 = vector.broadcast %mul3A_24 : f32 to vector<512x64xf32>
    %mul3A_26 = arith.mulf %mul3A_25, %abs3A : vector<512x64xf32>
    %add3A_27 = arith.constant 1.000000e+00 : f32
    %add3A_28 = vector.broadcast %add3A_27 : f32 to vector<512x64xf32>
    %add3A_29 = arith.addf %add3A_28, %mul3A_26 : vector<512x64xf32>
    %div3A = arith.constant 1.000000e+00 : f32
    %div3A_30 = vector.broadcast %div3A : f32 to vector<512x64xf32>
    %div3A_31 = arith.divf %div3A_30, %add3A_29 : vector<512x64xf32>
    %mul3A_32 = arith.constant 1.06140542 : f32
    %mul3A_33 = vector.broadcast %mul3A_32 : f32 to vector<512x64xf32>
    %mul3A_34 = arith.mulf %mul3A_33, %div3A_31 : vector<512x64xf32>
    %add3A_35 = arith.constant -1.45315206 : f32
    %add3A_36 = vector.broadcast %add3A_35 : f32 to vector<512x64xf32>
    %add3A_37 = arith.addf %mul3A_34, %add3A_36 : vector<512x64xf32>
    %mul3A_38 = arith.mulf %add3A_37, %div3A_31 : vector<512x64xf32>
    %add3A_39 = arith.constant 1.42141378 : f32
    %add3A_40 = vector.broadcast %add3A_39 : f32 to vector<512x64xf32>
    %add3A_41 = arith.addf %mul3A_38, %add3A_40 : vector<512x64xf32>
    %mul3A_42 = arith.mulf %add3A_41, %div3A_31 : vector<512x64xf32>
    %add3A_43 = arith.constant -0.284496725 : f32
    %add3A_44 = vector.broadcast %add3A_43 : f32 to vector<512x64xf32>
    %add3A_45 = arith.addf %mul3A_42, %add3A_44 : vector<512x64xf32>
    %mul3A_46 = arith.mulf %add3A_45, %div3A_31 : vector<512x64xf32>
    %add3A_47 = arith.constant 0.254829586 : f32
    %add3A_48 = vector.broadcast %add3A_47 : f32 to vector<512x64xf32>
    %add3A_49 = arith.addf %mul3A_46, %add3A_48 : vector<512x64xf32>
    %mul3A_50 = arith.mulf %add3A_49, %div3A_31 : vector<512x64xf32>
    %neg3A = arith.constant 0.000000e+00 : f32
    %neg3A_51 = vector.broadcast %neg3A : f32 to vector<512x64xf32>
    %neg3A_52 = arith.subf %neg3A_51, %abs3A : vector<512x64xf32>
    %mul3A_53 = arith.mulf %neg3A_52, %abs3A : vector<512x64xf32>
    %exp3A = math.exp %mul3A_53 : vector<512x64xf32>
    %mul3A_54 = arith.mulf %mul3A_50, %exp3A : vector<512x64xf32>
    %sub3A = arith.constant 1.000000e+00 : f32
    %sub3A_55 = vector.broadcast %sub3A : f32 to vector<512x64xf32>
    %sub3A_56 = arith.subf %sub3A_55, %mul3A_54 : vector<512x64xf32>
    %sign3A = tpu.bitcast %mul3A_23 : vector<512x64xf32> -> vector<512x64xi32>
    %sign3A_57 = arith.constant -2147483648 : i32
    %sign3A_58 = vector.broadcast %sign3A_57 : i32 to vector<512x64xi32>
    %sign3A_59 = arith.andi %sign3A, %sign3A_58 : vector<512x64xi32>
    %sign3A_60 = arith.constant 1065353216 : i32
    %sign3A_61 = vector.broadcast %sign3A_60 : i32 to vector<512x64xi32>
    %sign3A_62 = arith.ori %sign3A_61, %sign3A_59 : vector<512x64xi32>
    %sign3A_63 = tpu.bitcast %sign3A_62 : vector<512x64xi32> -> vector<512x64xf32>
    %sign3A_64 = math.absf %mul3A_23 : vector<512x64xf32>
    %sign3A_65 = arith.constant 0.000000e+00 : f32
    %sign3A_66 = vector.broadcast %sign3A_65 : f32 to vector<512x64xf32>
    %sign3A_67 = arith.cmpf ogt, %sign3A_64, %sign3A_66 : vector<512x64xf32>
    %sign3A_68 = arith.select %sign3A_67, %sign3A_63, %mul3A_23 : vector<512x64xi1>, vector<512x64xf32>
    %mul3A_69 = arith.mulf %sign3A_68, %sub3A_56 : vector<512x64xf32>
    %add3A_70 = arith.constant 1.000000e+00 : f32
    %add3A_71 = vector.broadcast %add3A_70 : f32 to vector<512x64xf32>
    %add3A_72 = arith.addf %add3A_71, %mul3A_69 : vector<512x64xf32>
    %mul3A_73 = arith.mulf %mul3A_20, %add3A_72 : vector<512x64xf32>
    %get3A_74 = arith.constant 0 : index
    %get3A_75 = arith.constant 0 : index
    %get3A_76 = vector.load %arg8[%get3A_74, %get3A_75] : memref<1x64xf32, #tpu.memory_space<vmem>>, vector<1x64xf32>
    %get3A_77 = vector.shape_cast %get3A_76 : vector<1x64xf32> to vector<64xf32>
    %get3A_78 = arith.constant 0 : index
    %get3A_79 = arith.constant 0 : index
    %get3A_80 = vector.load %arg9[%get3A_78, %get3A_79] : memref<1x64xf32, #tpu.memory_space<vmem>>, vector<1x64xf32>
    %get3A_81 = vector.shape_cast %get3A_80 : vector<1x64xf32> to vector<64xf32>
    %reduce_sum3A = arith.constant dense<0.000000e+00> : vector<512xf32>
    %reduce_sum3A_82 = vector.multi_reduction <add>, %mul3A_73, %reduce_sum3A [1] : vector<512x64xf32> to vector<512xf32>
    %broadcast_in_dim3A_83 = vector.shape_cast %reduce_sum3A_82 : vector<512xf32> to vector<512x1xf32>
    %div3A_84 = arith.constant 6.400000e+01 : f32
    %div3A_85 = vector.broadcast %div3A_84 : f32 to vector<512x1xf32>
    %div3A_86 = arith.divf %broadcast_in_dim3A_83, %div3A_85 : vector<512x1xf32>
    %sub3A_87 = vector.broadcast %div3A_86 : vector<512x1xf32> to vector<512x64xf32>
    %sub3A_88 = arith.subf %mul3A_73, %sub3A_87 : vector<512x64xf32>
    %integer_pow3A = arith.mulf %sub3A_88, %sub3A_88 : vector<512x64xf32>
    %reduce_sum3A_89 = arith.constant dense<0.000000e+00> : vector<512xf32>
    %reduce_sum3A_90 = vector.multi_reduction <add>, %integer_pow3A, %reduce_sum3A_89 [1] : vector<512x64xf32> to vector<512xf32>
    %broadcast_in_dim3A_91 = vector.shape_cast %reduce_sum3A_90 : vector<512xf32> to vector<512x1xf32>
    %div3A_92 = arith.constant 6.400000e+01 : f32
    %div3A_93 = vector.broadcast %div3A_92 : f32 to vector<512x1xf32>
    %div3A_94 = arith.divf %broadcast_in_dim3A_91, %div3A_93 : vector<512x1xf32>
    %sub3A_95 = vector.broadcast %div3A_86 : vector<512x1xf32> to vector<512x64xf32>
    %sub3A_96 = arith.subf %mul3A_73, %sub3A_95 : vector<512x64xf32>
    %add3A_97 = arith.constant 1.000000e-03 : f32
    %add3A_98 = vector.broadcast %add3A_97 : f32 to vector<512x1xf32>
    %add3A_99 = arith.addf %div3A_94, %add3A_98 : vector<512x1xf32>
    %sqrt3A = math.sqrt %add3A_99 : vector<512x1xf32>
    %div3A_100 = vector.broadcast %sqrt3A : vector<512x1xf32> to vector<512x64xf32>
    %div3A_101 = arith.divf %sub3A_96, %div3A_100 : vector<512x64xf32>
    %broadcast_in_dim3A_102 = vector.shape_cast %get3A_77 : vector<64xf32> to vector<1x64xf32>
    %mul3A_103 = vector.broadcast %broadcast_in_dim3A_102 : vector<1x64xf32> to vector<512x64xf32>
    %mul3A_104 = arith.mulf %div3A_101, %mul3A_103 : vector<512x64xf32>
    %broadcast_in_dim3A_105 = vector.shape_cast %get3A_81 : vector<64xf32> to vector<1x64xf32>
    %add3A_106 = vector.broadcast %broadcast_in_dim3A_105 : vector<1x64xf32> to vector<512x64xf32>
    %add3A_107 = arith.addf %mul3A_104, %add3A_106 : vector<512x64xf32>
    %get3A_108 = arith.constant 0 : index
    %get3A_109 = arith.constant 0 : index
    %get3A_110 = arith.constant 0 : index
    %get3A_111 = arith.constant 0 : index
    %get3A_112 = vector.load %arg4[%get3A_108, %get3A_109, %get3A_110, %get3A_111] : memref<1x1x1x512xf32, #tpu.memory_space<vmem>>, vector<1x1x1x512xf32>
    %get3A_113 = vector.shape_cast %get3A_112 : vector<1x1x1x512xf32> to vector<512xf32>
    %get3A_114 = arith.constant 0 : index
    %get3A_115 = arith.constant 0 : index
    %get3A_116 = vector.load %arg10[%get3A_114, %get3A_115] : memref<1x1xf32, #tpu.memory_space<vmem>>, vector<1x1xf32>
    %get3A_117 = vector.extract %get3A_116[0, 0] : f32 from vector<1x1xf32>
    %get3A_118 = arith.constant 0 : index
    %get3A_119 = arith.constant 0 : index
    %get3A_120 = vector.load %arg11[%get3A_118, %get3A_119] : memref<1x1xf32, #tpu.memory_space<vmem>>, vector<1x1xf32>
    %get3A_121 = vector.extract %get3A_120[0, 0] : f32 from vector<1x1xf32>
    %mul3A_122 = arith.mulf %get3A_113, %get3A_113 : vector<512xf32>
    %mul3A_123 = arith.constant 2.000000e+00 : f32
    %mul3A_124 = arith.mulf %mul3A_123, %get3A_117 : f32
    %mul3A_125 = arith.mulf %mul3A_124, %get3A_117 : f32
    %div3A_126 = vector.broadcast %mul3A_125 : f32 to vector<512xf32>
    %div3A_127 = arith.divf %mul3A_122, %div3A_126 : vector<512xf32>
    %max3A = arith.constant 9.99999935E-39 : f32
    %max3A_128 = vector.broadcast %max3A : f32 to vector<512xf32>
    %max3A_129 = arith.maximumf %div3A_127, %max3A_128 : vector<512xf32>
    %log3A = math.log %max3A_129 : vector<512xf32>
    %mul3A_130 = vector.broadcast %get3A_121 : f32 to vector<512xf32>
    %mul3A_131 = arith.mulf %mul3A_130, %log3A : vector<512xf32>
    %exp3A_132 = math.exp %mul3A_131 : vector<512xf32>
    %neg3A_133 = arith.constant 0.000000e+00 : f32
    %neg3A_134 = vector.broadcast %neg3A_133 : f32 to vector<512xf32>
    %neg3A_135 = arith.subf %neg3A_134, %exp3A_132 : vector<512xf32>
    %exp3A_136 = math.exp %neg3A_135 : vector<512xf32>
    %broadcast_in_dim3A_137 = vector.shape_cast %exp3A_136 : vector<512xf32> to vector<512x1xf32>
    %mul3A_138 = vector.broadcast %broadcast_in_dim3A_137 : vector<512x1xf32> to vector<512x64xf32>
    %mul3A_139 = arith.mulf %add3A_107, %mul3A_138 : vector<512x64xf32>
    %swap3A = arith.constant 0 : index
    %swap3A_140 = arith.constant 0 : index
    %swap3A_141 = arith.constant 0 : index
    %swap3A_142 = vector.load %arg12[%swap3A, %swap3A_140, %swap3A_141] : memref<1x512x64xf32, #tpu.memory_space<vmem>>, vector<1x512x64xf32>
    %swap3A_143 = vector.shape_cast %swap3A_142 : vector<1x512x64xf32> to vector<512x64xf32>
    %swap3A_144 = vector.shape_cast %mul3A_139 : vector<512x64xf32> to vector<1x512x64xf32>
    tpu.vector_store %arg12[%swap3A, %swap3A_140, %swap3A_141], %swap3A_144 {strides = array<i32>} : memref<1x512x64xf32, #tpu.memory_space<vmem>>, vector<1x512x64xf32>,
    %swap3A_145 = arith.constant 0 : index
    %swap3A_146 = arith.constant 0 : index
    %swap3A_147 = arith.constant 0 : index
    %swap3A_148 = arith.constant 0 : index
    %swap3A_149 = vector.load %arg13[%swap3A_145, %swap3A_146, %swap3A_147, %swap3A_148] : memref<1x1x1x512xf32, #tpu.memory_space<vmem>>, vector<1x1x1x512xf32>
    %swap3A_150 = vector.shape_cast %swap3A_149 : vector<1x1x1x512xf32> to vector<512xf32>
    %swap3A_151 = vector.shape_cast %exp3A_136 : vector<512xf32> to vector<1x1x1x512xf32>
    tpu.vector_store %arg13[%swap3A_145, %swap3A_146, %swap3A_147, %swap3A_148], %swap3A_151 {strides = array<i32>} : memref<1x1x1x512xf32, #tpu.memory_space<vmem>>, vector<1x1x1x512xf32>,
    %get3A_152 = arith.constant 0 : index
    %get3A_153 = arith.constant 0 : index
    %get3A_154 = arith.constant 0 : index
    %get3A_155 = arith.constant 0 : index
    %get3A_156 = vector.load %arg5[%get3A_152, %get3A_153, %get3A_154, %get3A_155] : memref<1x1x1x512xi32, #tpu.memory_space<vmem>>, vector<1x1x1x512xi32>
    %get3A_157 = vector.shape_cast %get3A_156 : vector<1x1x1x512xi32> to vector<512xi32>
    %iota3A = tpu.iota {dimensions = array<i32: 0>} : vector<512x512xi32>
    %broadcast_in_dim3A_158 = vector.shape_cast %get3A_157 : vector<512xi32> to vector<1x512xi32>
    %eq3A = vector.broadcast %broadcast_in_dim3A_158 : vector<1x512xi32> to vector<512x512xi32>
    %eq3A_159 = arith.cmpi eq, %iota3A, %eq3A : vector<512x512xi32>
    %convert_element_type3A = arith.extui %eq3A_159 : vector<512x512xi1> to vector<512x512xi32>
    %convert_element_type3A_160 = arith.sitofp %convert_element_type3A : vector<512x512xi32> to vector<512x512xf32>
    %convert_element_type3A_161 = arith.truncf %convert_element_type3A_160 : vector<512x512xf32> to vector<512x512xbf16>
    %convert_element_type3A_162 = arith.truncf %mul3A_139 : vector<512x64xf32> to vector<512x64xbf16>
    %dot_general3A_163 = arith.constant dense<0.000000e+00> : vector<512x64xf32>
    %dot_general3A_164 = tpu.matmul %convert_element_type3A_161, %convert_element_type3A_162, %dot_general3A_163 {dimension_numbers = #tpu.dot_dimension_numbers<[1], [0], [0], [1], [0, 0, 1, 1], [], []>, transpose_lhs_hint = false} : vector<512x512xbf16>, vector<512x64xbf16>, vector<512x64xf32> -> vector<512x64xf32>
    %eq3A_165 = arith.constant 0 : i32
    %eq3A_166 = arith.cmpi eq, %arg1, %eq3A_165 : i32
    %convert_element_type3A_167 = arith.extui %eq3A_166 : i1 to i32
    %cond3A = arith.constant 0 : i32
    %cond3A_168 = arith.cmpi ne, %convert_element_type3A_167, %cond3A : i32
    scf.if %cond3A_168 {
      %swap3A_173 = arith.constant 0 : index
      %swap3A_174 = arith.constant 0 : index
      %swap3A_175 = arith.constant 0 : index
      %swap3A_176 = vector.load %arg14[%swap3A_173, %swap3A_174, %swap3A_175] : memref<1x512x64xf32, #tpu.memory_space<vmem>>, vector<1x512x64xf32>
      %swap3A_177 = vector.shape_cast %swap3A_176 : vector<1x512x64xf32> to vector<512x64xf32>
      %swap3A_178 = vector.shape_cast %dot_general3A_164 : vector<512x64xf32> to vector<1x512x64xf32>
      tpu.vector_store %arg14[%swap3A_173, %swap3A_174, %swap3A_175], %swap3A_178 {strides = array<i32>} : memref<1x512x64xf32, #tpu.memory_space<vmem>>, vector<1x512x64xf32>,
    } else {
    }
    %gt3A = arith.constant 0 : i32
    %gt3A_169 = arith.cmpi sgt, %arg1, %gt3A : i32
    %convert_element_type3A_170 = arith.extui %gt3A_169 : i1 to i32
    %cond3A_171 = arith.constant 0 : i32
    %cond3A_172 = arith.cmpi ne, %convert_element_type3A_170, %cond3A_171 : i32
    scf.if %cond3A_172 {
      %get3A_173 = arith.constant 0 : index
      %get3A_174 = arith.constant 0 : index
      %get3A_175 = arith.constant 0 : index
      %get3A_176 = vector.load %arg14[%get3A_173, %get3A_174, %get3A_175] : memref<1x512x64xf32, #tpu.memory_space<vmem>>, vector<1x512x64xf32>
      %get3A_177 = vector.shape_cast %get3A_176 : vector<1x512x64xf32> to vector<512x64xf32>
      %add3A_178 = arith.addf %get3A_177, %dot_general3A_164 : vector<512x64xf32>
      %swap3A_179 = arith.constant 0 : index
      %swap3A_180 = arith.constant 0 : index
      %swap3A_181 = arith.constant 0 : index
      %swap3A_182 = vector.load %arg14[%swap3A_179, %swap3A_180, %swap3A_181] : memref<1x512x64xf32, #tpu.memory_space<vmem>>, vector<1x512x64xf32>
      %swap3A_183 = vector.shape_cast %swap3A_182 : vector<1x512x64xf32> to vector<512x64xf32>
      %swap3A_184 = vector.shape_cast %add3A_178 : vector<512x64xf32> to vector<1x512x64xf32>
      tpu.vector_store %arg14[%swap3A_179, %swap3A_180, %swap3A_181], %swap3A_184 {strides = array<i32>} : memref<1x512x64xf32, #tpu.memory_space<vmem>>, vector<1x512x64xf32>,
    } else {
    }
    return
  }
  func.func @transform_0(%arg0: i32, %arg1: i32) -> (i32, i32, i32) {
    %c0_i32 = arith.constant 0 : i32
    %c0_i32_0 = arith.constant 0 : i32
    return %arg0, %arg1, %c0_i32 : i32, i32, i32
  }
  func.func @transform_1(%arg0: i32, %arg1: i32) -> (i32, i32, i32) {
    %c0_i32 = arith.constant 0 : i32
    %c0_i32_0 = arith.constant 0 : i32
    return %arg0, %arg1, %c0_i32 : i32, i32, i32
  }
  func.func @transform_2(%arg0: i32, %arg1: i32) -> (i32, i32, i32, i32) {
    %c0_i32 = arith.constant 0 : i32
    %c0_i32_0 = arith.constant 0 : i32
    %c0_i32_1 = arith.constant 0 : i32
    return %arg0, %arg1, %c0_i32, %c0_i32_0 : i32, i32, i32, i32
  }
  func.func @transform_3(%arg0: i32, %arg1: i32) -> (i32, i32, i32, i32) {
    %c0_i32 = arith.constant 0 : i32
    %c0_i32_0 = arith.constant 0 : i32
    %c0_i32_1 = arith.constant 0 : i32
    return %arg0, %arg1, %c0_i32, %c0_i32_0 : i32, i32, i32, i32
  }
  func.func @transform_4(%arg0: i32, %arg1: i32) -> (i32, i32) {
    %c0_i32 = arith.constant 0 : i32
    %c0_i32_0 = arith.constant 0 : i32
    %c0_i32_1 = arith.constant 0 : i32
    return %c0_i32, %c0_i32_0 : i32, i32
  }
  func.func @transform_5(%arg0: i32, %arg1: i32) -> (i32, i32) {
    %c0_i32 = arith.constant 0 : i32
    %c0_i32_0 = arith.constant 0 : i32
    %c0_i32_1 = arith.constant 0 : i32
    return %c0_i32, %c0_i32_0 : i32, i32
  }
  func.func @transform_6(%arg0: i32, %arg1: i32) -> (i32, i32) {
    %c0_i32 = arith.constant 0 : i32
    %c0_i32_0 = arith.constant 0 : i32
    %c0_i32_1 = arith.constant 0 : i32
    return %c0_i32, %c0_i32_0 : i32, i32
  }
  func.func @transform_7(%arg0: i32, %arg1: i32) -> (i32, i32) {
    %c0_i32 = arith.constant 0 : i32
    %c0_i32_0 = arith.constant 0 : i32
    %c0_i32_1 = arith.constant 0 : i32
    return %c0_i32, %c0_i32_0 : i32, i32
  }
  func.func @transform_8(%arg0: i32, %arg1: i32) -> (i32, i32) {
    %c0_i32 = arith.constant 0 : i32
    %c0_i32_0 = arith.constant 0 : i32
    %c0_i32_1 = arith.constant 0 : i32
    return %c0_i32, %c0_i32_0 : i32, i32
  }
  func.func @transform_9(%arg0: i32, %arg1: i32) -> (i32, i32) {
    %c0_i32 = arith.constant 0 : i32
    %c0_i32_0 = arith.constant 0 : i32
    %c0_i32_1 = arith.constant 0 : i32
    return %c0_i32, %c0_i32_0 : i32, i32
  }
  func.func @transform_10(%arg0: i32, %arg1: i32) -> (i32, i32, i32) {
    %c0_i32 = arith.constant 0 : i32
    %c0_i32_0 = arith.constant 0 : i32
    return %arg0, %arg1, %c0_i32 : i32, i32, i32
  }
  func.func @transform_11(%arg0: i32, %arg1: i32) -> (i32, i32, i32, i32) {
    %c0_i32 = arith.constant 0 : i32
    %c0_i32_0 = arith.constant 0 : i32
    %c0_i32_1 = arith.constant 0 : i32
    return %arg0, %arg1, %c0_i32, %c0_i32_0 : i32, i32, i32, i32
  }
  func.func @transform_12(%arg0: i32, %arg1: i32) -> (i32, i32, i32) {
    %c0_i32 = arith.constant 0 : i32
    %c0_i32_0 = arith.constant 0 : i32
    %c0_i32_1 = arith.constant 0 : i32
    return %arg0, %c0_i32, %c0_i32_0 : i32, i32, i32
  }
}

module attributes {stable_mosaic.version = 14 : i64} {
  func.func @_attn_body(%arg0: i32, %arg1: memref<1x512x64xf32, #tpu.memory_space<vmem>>, %arg2: memref<1x512x64xf32, #tpu.memory_space<vmem>>, %arg3: memref<128x64xf32, #tpu.memory_space<vmem>>, %arg4: memref<1x64xf32, #tpu.memory_space<vmem>>, %arg5: memref<128x64xf32, #tpu.memory_space<vmem>>, %arg6: memref<1x64xf32, #tpu.memory_space<vmem>>, %arg7: memref<128x64xf32, #tpu.memory_space<vmem>>, %arg8: memref<1x64xf32, #tpu.memory_space<vmem>>, %arg9: memref<64x64xf32, #tpu.memory_space<vmem>>, %arg10: memref<1x64xf32, #tpu.memory_space<vmem>>, %arg11: memref<1x64xf32, #tpu.memory_space<vmem>>, %arg12: memref<1x64xf32, #tpu.memory_space<vmem>>, %arg13: memref<1x512x64xf32, #tpu.memory_space<vmem>>) attributes {dimension_semantics = [#tpu.dimension_semantics<arbitrary>], iteration_bounds = array<i64: 8>, scalar_prefetch = 0 : i64, scratch_operands = 0 : i64, tpu.core_type = #tpu.core_type<tc>, window_params = [{transform_indices = @transform_0, window_bounds = array<i64: 1, 512, 64>}, {transform_indices = @transform_1, window_bounds = array<i64: 1, 512, 64>}, {pipeline_mode = #tpu.pipeline_mode<synchronous>, transform_indices = @transform_2, window_bounds = array<i64: 128, 64>}, {pipeline_mode = #tpu.pipeline_mode<synchronous>, transform_indices = @transform_3, window_bounds = array<i64: 1, 64>}, {pipeline_mode = #tpu.pipeline_mode<synchronous>, transform_indices = @transform_4, window_bounds = array<i64: 128, 64>}, {pipeline_mode = #tpu.pipeline_mode<synchronous>, transform_indices = @transform_5, window_bounds = array<i64: 1, 64>}, {pipeline_mode = #tpu.pipeline_mode<synchronous>, transform_indices = @transform_6, window_bounds = array<i64: 128, 64>}, {pipeline_mode = #tpu.pipeline_mode<synchronous>, transform_indices = @transform_7, window_bounds = array<i64: 1, 64>}, {pipeline_mode = #tpu.pipeline_mode<synchronous>, transform_indices = @transform_8, window_bounds = array<i64: 64, 64>}, {pipeline_mode = #tpu.pipeline_mode<synchronous>, transform_indices = @transform_9, window_bounds = array<i64: 1, 64>}, {pipeline_mode = #tpu.pipeline_mode<synchronous>, transform_indices = @transform_10, window_bounds = array<i64: 1, 64>}, {pipeline_mode = #tpu.pipeline_mode<synchronous>, transform_indices = @transform_11, window_bounds = array<i64: 1, 64>}, {transform_indices = @transform_12, window_bounds = array<i64: 1, 512, 64>}]} {
    %get3A = arith.constant 0 : index
    %get3A_0 = arith.constant 0 : index
    %get3A_1 = arith.constant 0 : index
    %get3A_2 = vector.load %arg2[%get3A, %get3A_0, %get3A_1] : memref<1x512x64xf32, #tpu.memory_space<vmem>>, vector<1x512x64xf32>
    %get3A_3 = vector.shape_cast %get3A_2 : vector<1x512x64xf32> to vector<512x64xf32>
    %get3A_4 = arith.constant 0 : index
    %get3A_5 = arith.constant 0 : index
    %get3A_6 = arith.constant 0 : index
    %get3A_7 = vector.load %arg1[%get3A_4, %get3A_5, %get3A_6] : memref<1x512x64xf32, #tpu.memory_space<vmem>>, vector<1x512x64xf32>
    %get3A_8 = vector.shape_cast %get3A_7 : vector<1x512x64xf32> to vector<512x64xf32>
    %concatenate3A = tpu.concatenate %get3A_8, %get3A_3 in 1 : vector<512x64xf32>, vector<512x64xf32> -> vector<512x128xf32>
    %get3A_9 = arith.constant 0 : index
    %get3A_10 = arith.constant 0 : index
    %get3A_11 = vector.load %arg3[%get3A_9, %get3A_10] : memref<128x64xf32, #tpu.memory_space<vmem>>, vector<128x64xf32>
    %dot_general3A = arith.constant dense<0.000000e+00> : vector<512x64xf32>
    %dot_general3A_12 = tpu.matmul %concatenate3A, %get3A_11, %dot_general3A {dimension_numbers = #tpu.dot_dimension_numbers<[1], [0], [0], [1], [0, 0, 1, 1], [], []>, transpose_lhs_hint = false} : vector<512x128xf32>, vector<128x64xf32>, vector<512x64xf32> -> vector<512x64xf32>
    %get3A_13 = arith.constant 0 : index
    %get3A_14 = arith.constant 0 : index
    %get3A_15 = vector.load %arg4[%get3A_13, %get3A_14] : memref<1x64xf32, #tpu.memory_space<vmem>>, vector<1x64xf32>
    %get3A_16 = vector.shape_cast %get3A_15 : vector<1x64xf32> to vector<64xf32>
    %broadcast_in_dim3A = vector.shape_cast %get3A_16 : vector<64xf32> to vector<1x64xf32>
    %add3A = vector.broadcast %broadcast_in_dim3A : vector<1x64xf32> to vector<512x64xf32>
    %add3A_17 = arith.addf %dot_general3A_12, %add3A : vector<512x64xf32>
    %get3A_18 = arith.constant 0 : index
    %get3A_19 = arith.constant 0 : index
    %get3A_20 = vector.load %arg5[%get3A_18, %get3A_19] : memref<128x64xf32, #tpu.memory_space<vmem>>, vector<128x64xf32>
    %dot_general3A_21 = arith.constant dense<0.000000e+00> : vector<512x64xf32>
    %dot_general3A_22 = tpu.matmul %concatenate3A, %get3A_20, %dot_general3A_21 {dimension_numbers = #tpu.dot_dimension_numbers<[1], [0], [0], [1], [0, 0, 1, 1], [], []>, transpose_lhs_hint = false} : vector<512x128xf32>, vector<128x64xf32>, vector<512x64xf32> -> vector<512x64xf32>
    %get3A_23 = arith.constant 0 : index
    %get3A_24 = arith.constant 0 : index
    %get3A_25 = vector.load %arg6[%get3A_23, %get3A_24] : memref<1x64xf32, #tpu.memory_space<vmem>>, vector<1x64xf32>
    %get3A_26 = vector.shape_cast %get3A_25 : vector<1x64xf32> to vector<64xf32>
    %broadcast_in_dim3A_27 = vector.shape_cast %get3A_26 : vector<64xf32> to vector<1x64xf32>
    %add3A_28 = vector.broadcast %broadcast_in_dim3A_27 : vector<1x64xf32> to vector<512x64xf32>
    %add3A_29 = arith.addf %dot_general3A_22, %add3A_28 : vector<512x64xf32>
    %get3A_30 = arith.constant 0 : index
    %get3A_31 = arith.constant 0 : index
    %get3A_32 = vector.load %arg7[%get3A_30, %get3A_31] : memref<128x64xf32, #tpu.memory_space<vmem>>, vector<128x64xf32>
    %dot_general3A_33 = arith.constant dense<0.000000e+00> : vector<512x64xf32>
    %dot_general3A_34 = tpu.matmul %concatenate3A, %get3A_32, %dot_general3A_33 {dimension_numbers = #tpu.dot_dimension_numbers<[1], [0], [0], [1], [0, 0, 1, 1], [], []>, transpose_lhs_hint = false} : vector<512x128xf32>, vector<128x64xf32>, vector<512x64xf32> -> vector<512x64xf32>
    %get3A_35 = arith.constant 0 : index
    %get3A_36 = arith.constant 0 : index
    %get3A_37 = vector.load %arg8[%get3A_35, %get3A_36] : memref<1x64xf32, #tpu.memory_space<vmem>>, vector<1x64xf32>
    %get3A_38 = vector.shape_cast %get3A_37 : vector<1x64xf32> to vector<64xf32>
    %broadcast_in_dim3A_39 = vector.shape_cast %get3A_38 : vector<64xf32> to vector<1x64xf32>
    %add3A_40 = vector.broadcast %broadcast_in_dim3A_39 : vector<1x64xf32> to vector<512x64xf32>
    %add3A_41 = arith.addf %dot_general3A_34, %add3A_40 : vector<512x64xf32>
    %slice3A = vector.extract_strided_slice %add3A_17 {offsets = [0, 0], sizes = [512, 8], strides = [1, 1]} : vector<512x64xf32> to vector<512x8xf32>
    %slice3A_42 = vector.extract_strided_slice %add3A_29 {offsets = [0, 0], sizes = [512, 8], strides = [1, 1]} : vector<512x64xf32> to vector<512x8xf32>
    %slice3A_43 = vector.extract_strided_slice %add3A_41 {offsets = [0, 0], sizes = [512, 8], strides = [1, 1]} : vector<512x64xf32> to vector<512x8xf32>
    %dot_general3A_44 = arith.constant dense<0.000000e+00> : vector<512x512xf32>
    %dot_general3A_45 = tpu.matmul %slice3A, %slice3A_42, %dot_general3A_44 {dimension_numbers = #tpu.dot_dimension_numbers<[1], [1], [0], [0], [0, 0, 1, 0], [], []>, transpose_lhs_hint = false} : vector<512x8xf32>, vector<512x8xf32>, vector<512x512xf32> -> vector<512x512xf32>
    %mul3A = arith.constant 0.353553385 : f32
    %mul3A_46 = vector.broadcast %mul3A : f32 to vector<512x512xf32>
    %mul3A_47 = arith.mulf %dot_general3A_45, %mul3A_46 : vector<512x512xf32>
    %reduce_max3A = arith.constant dense<0xFF800000> : vector<512xf32>
    %reduce_max3A_48 = vector.multi_reduction <maximumf>, %mul3A_47, %reduce_max3A [1] : vector<512x512xf32> to vector<512xf32>
    %broadcast_in_dim3A_49 = vector.shape_cast %reduce_max3A_48 : vector<512xf32> to vector<512x1xf32>
    %sub3A = vector.broadcast %broadcast_in_dim3A_49 : vector<512x1xf32> to vector<512x512xf32>
    %sub3A_50 = arith.subf %mul3A_47, %sub3A : vector<512x512xf32>
    %exp3A = math.exp %sub3A_50 : vector<512x512xf32>
    %reduce_sum3A = arith.constant dense<0.000000e+00> : vector<512xf32>
    %reduce_sum3A_51 = vector.multi_reduction <add>, %exp3A, %reduce_sum3A [1] : vector<512x512xf32> to vector<512xf32>
    %broadcast_in_dim3A_52 = vector.shape_cast %reduce_sum3A_51 : vector<512xf32> to vector<512x1xf32>
    %div3A = vector.broadcast %broadcast_in_dim3A_52 : vector<512x1xf32> to vector<512x512xf32>
    %div3A_53 = arith.divf %exp3A, %div3A : vector<512x512xf32>
    %dot_general3A_54 = arith.constant dense<0.000000e+00> : vector<512x8xf32>
    %dot_general3A_55 = tpu.matmul %div3A_53, %slice3A_43, %dot_general3A_54 {dimension_numbers = #tpu.dot_dimension_numbers<[1], [0], [0], [1], [0, 0, 1, 1], [], []>, transpose_lhs_hint = false} : vector<512x512xf32>, vector<512x8xf32>, vector<512x8xf32> -> vector<512x8xf32>
    %slice3A_56 = vector.extract_strided_slice %add3A_17 {offsets = [0, 8], sizes = [512, 8], strides = [1, 1]} : vector<512x64xf32> to vector<512x8xf32>
    %slice3A_57 = vector.extract_strided_slice %add3A_29 {offsets = [0, 8], sizes = [512, 8], strides = [1, 1]} : vector<512x64xf32> to vector<512x8xf32>
    %slice3A_58 = vector.extract_strided_slice %add3A_41 {offsets = [0, 8], sizes = [512, 8], strides = [1, 1]} : vector<512x64xf32> to vector<512x8xf32>
    %dot_general3A_59 = arith.constant dense<0.000000e+00> : vector<512x512xf32>
    %dot_general3A_60 = tpu.matmul %slice3A_56, %slice3A_57, %dot_general3A_59 {dimension_numbers = #tpu.dot_dimension_numbers<[1], [1], [0], [0], [0, 0, 1, 0], [], []>, transpose_lhs_hint = false} : vector<512x8xf32>, vector<512x8xf32>, vector<512x512xf32> -> vector<512x512xf32>
    %mul3A_61 = arith.constant 0.353553385 : f32
    %mul3A_62 = vector.broadcast %mul3A_61 : f32 to vector<512x512xf32>
    %mul3A_63 = arith.mulf %dot_general3A_60, %mul3A_62 : vector<512x512xf32>
    %reduce_max3A_64 = arith.constant dense<0xFF800000> : vector<512xf32>
    %reduce_max3A_65 = vector.multi_reduction <maximumf>, %mul3A_63, %reduce_max3A_64 [1] : vector<512x512xf32> to vector<512xf32>
    %broadcast_in_dim3A_66 = vector.shape_cast %reduce_max3A_65 : vector<512xf32> to vector<512x1xf32>
    %sub3A_67 = vector.broadcast %broadcast_in_dim3A_66 : vector<512x1xf32> to vector<512x512xf32>
    %sub3A_68 = arith.subf %mul3A_63, %sub3A_67 : vector<512x512xf32>
    %exp3A_69 = math.exp %sub3A_68 : vector<512x512xf32>
    %reduce_sum3A_70 = arith.constant dense<0.000000e+00> : vector<512xf32>
    %reduce_sum3A_71 = vector.multi_reduction <add>, %exp3A_69, %reduce_sum3A_70 [1] : vector<512x512xf32> to vector<512xf32>
    %broadcast_in_dim3A_72 = vector.shape_cast %reduce_sum3A_71 : vector<512xf32> to vector<512x1xf32>
    %div3A_73 = vector.broadcast %broadcast_in_dim3A_72 : vector<512x1xf32> to vector<512x512xf32>
    %div3A_74 = arith.divf %exp3A_69, %div3A_73 : vector<512x512xf32>
    %dot_general3A_75 = arith.constant dense<0.000000e+00> : vector<512x8xf32>
    %dot_general3A_76 = tpu.matmul %div3A_74, %slice3A_58, %dot_general3A_75 {dimension_numbers = #tpu.dot_dimension_numbers<[1], [0], [0], [1], [0, 0, 1, 1], [], []>, transpose_lhs_hint = false} : vector<512x512xf32>, vector<512x8xf32>, vector<512x8xf32> -> vector<512x8xf32>
    %slice3A_77 = vector.extract_strided_slice %add3A_17 {offsets = [0, 16], sizes = [512, 8], strides = [1, 1]} : vector<512x64xf32> to vector<512x8xf32>
    %slice3A_78 = vector.extract_strided_slice %add3A_29 {offsets = [0, 16], sizes = [512, 8], strides = [1, 1]} : vector<512x64xf32> to vector<512x8xf32>
    %slice3A_79 = vector.extract_strided_slice %add3A_41 {offsets = [0, 16], sizes = [512, 8], strides = [1, 1]} : vector<512x64xf32> to vector<512x8xf32>
    %dot_general3A_80 = arith.constant dense<0.000000e+00> : vector<512x512xf32>
    %dot_general3A_81 = tpu.matmul %slice3A_77, %slice3A_78, %dot_general3A_80 {dimension_numbers = #tpu.dot_dimension_numbers<[1], [1], [0], [0], [0, 0, 1, 0], [], []>, transpose_lhs_hint = false} : vector<512x8xf32>, vector<512x8xf32>, vector<512x512xf32> -> vector<512x512xf32>
    %mul3A_82 = arith.constant 0.353553385 : f32
    %mul3A_83 = vector.broadcast %mul3A_82 : f32 to vector<512x512xf32>
    %mul3A_84 = arith.mulf %dot_general3A_81, %mul3A_83 : vector<512x512xf32>
    %reduce_max3A_85 = arith.constant dense<0xFF800000> : vector<512xf32>
    %reduce_max3A_86 = vector.multi_reduction <maximumf>, %mul3A_84, %reduce_max3A_85 [1] : vector<512x512xf32> to vector<512xf32>
    %broadcast_in_dim3A_87 = vector.shape_cast %reduce_max3A_86 : vector<512xf32> to vector<512x1xf32>
    %sub3A_88 = vector.broadcast %broadcast_in_dim3A_87 : vector<512x1xf32> to vector<512x512xf32>
    %sub3A_89 = arith.subf %mul3A_84, %sub3A_88 : vector<512x512xf32>
    %exp3A_90 = math.exp %sub3A_89 : vector<512x512xf32>
    %reduce_sum3A_91 = arith.constant dense<0.000000e+00> : vector<512xf32>
    %reduce_sum3A_92 = vector.multi_reduction <add>, %exp3A_90, %reduce_sum3A_91 [1] : vector<512x512xf32> to vector<512xf32>
    %broadcast_in_dim3A_93 = vector.shape_cast %reduce_sum3A_92 : vector<512xf32> to vector<512x1xf32>
    %div3A_94 = vector.broadcast %broadcast_in_dim3A_93 : vector<512x1xf32> to vector<512x512xf32>
    %div3A_95 = arith.divf %exp3A_90, %div3A_94 : vector<512x512xf32>
    %dot_general3A_96 = arith.constant dense<0.000000e+00> : vector<512x8xf32>
    %dot_general3A_97 = tpu.matmul %div3A_95, %slice3A_79, %dot_general3A_96 {dimension_numbers = #tpu.dot_dimension_numbers<[1], [0], [0], [1], [0, 0, 1, 1], [], []>, transpose_lhs_hint = false} : vector<512x512xf32>, vector<512x8xf32>, vector<512x8xf32> -> vector<512x8xf32>
    %slice3A_98 = vector.extract_strided_slice %add3A_17 {offsets = [0, 24], sizes = [512, 8], strides = [1, 1]} : vector<512x64xf32> to vector<512x8xf32>
    %slice3A_99 = vector.extract_strided_slice %add3A_29 {offsets = [0, 24], sizes = [512, 8], strides = [1, 1]} : vector<512x64xf32> to vector<512x8xf32>
    %slice3A_100 = vector.extract_strided_slice %add3A_41 {offsets = [0, 24], sizes = [512, 8], strides = [1, 1]} : vector<512x64xf32> to vector<512x8xf32>
    %dot_general3A_101 = arith.constant dense<0.000000e+00> : vector<512x512xf32>
    %dot_general3A_102 = tpu.matmul %slice3A_98, %slice3A_99, %dot_general3A_101 {dimension_numbers = #tpu.dot_dimension_numbers<[1], [1], [0], [0], [0, 0, 1, 0], [], []>, transpose_lhs_hint = false} : vector<512x8xf32>, vector<512x8xf32>, vector<512x512xf32> -> vector<512x512xf32>
    %mul3A_103 = arith.constant 0.353553385 : f32
    %mul3A_104 = vector.broadcast %mul3A_103 : f32 to vector<512x512xf32>
    %mul3A_105 = arith.mulf %dot_general3A_102, %mul3A_104 : vector<512x512xf32>
    %reduce_max3A_106 = arith.constant dense<0xFF800000> : vector<512xf32>
    %reduce_max3A_107 = vector.multi_reduction <maximumf>, %mul3A_105, %reduce_max3A_106 [1] : vector<512x512xf32> to vector<512xf32>
    %broadcast_in_dim3A_108 = vector.shape_cast %reduce_max3A_107 : vector<512xf32> to vector<512x1xf32>
    %sub3A_109 = vector.broadcast %broadcast_in_dim3A_108 : vector<512x1xf32> to vector<512x512xf32>
    %sub3A_110 = arith.subf %mul3A_105, %sub3A_109 : vector<512x512xf32>
    %exp3A_111 = math.exp %sub3A_110 : vector<512x512xf32>
    %reduce_sum3A_112 = arith.constant dense<0.000000e+00> : vector<512xf32>
    %reduce_sum3A_113 = vector.multi_reduction <add>, %exp3A_111, %reduce_sum3A_112 [1] : vector<512x512xf32> to vector<512xf32>
    %broadcast_in_dim3A_114 = vector.shape_cast %reduce_sum3A_113 : vector<512xf32> to vector<512x1xf32>
    %div3A_115 = vector.broadcast %broadcast_in_dim3A_114 : vector<512x1xf32> to vector<512x512xf32>
    %div3A_116 = arith.divf %exp3A_111, %div3A_115 : vector<512x512xf32>
    %dot_general3A_117 = arith.constant dense<0.000000e+00> : vector<512x8xf32>
    %dot_general3A_118 = tpu.matmul %div3A_116, %slice3A_100, %dot_general3A_117 {dimension_numbers = #tpu.dot_dimension_numbers<[1], [0], [0], [1], [0, 0, 1, 1], [], []>, transpose_lhs_hint = false} : vector<512x512xf32>, vector<512x8xf32>, vector<512x8xf32> -> vector<512x8xf32>
    %slice3A_119 = vector.extract_strided_slice %add3A_17 {offsets = [0, 32], sizes = [512, 8], strides = [1, 1]} : vector<512x64xf32> to vector<512x8xf32>
    %slice3A_120 = vector.extract_strided_slice %add3A_29 {offsets = [0, 32], sizes = [512, 8], strides = [1, 1]} : vector<512x64xf32> to vector<512x8xf32>
    %slice3A_121 = vector.extract_strided_slice %add3A_41 {offsets = [0, 32], sizes = [512, 8], strides = [1, 1]} : vector<512x64xf32> to vector<512x8xf32>
    %dot_general3A_122 = arith.constant dense<0.000000e+00> : vector<512x512xf32>
    %dot_general3A_123 = tpu.matmul %slice3A_119, %slice3A_120, %dot_general3A_122 {dimension_numbers = #tpu.dot_dimension_numbers<[1], [1], [0], [0], [0, 0, 1, 0], [], []>, transpose_lhs_hint = false} : vector<512x8xf32>, vector<512x8xf32>, vector<512x512xf32> -> vector<512x512xf32>
    %mul3A_124 = arith.constant 0.353553385 : f32
    %mul3A_125 = vector.broadcast %mul3A_124 : f32 to vector<512x512xf32>
    %mul3A_126 = arith.mulf %dot_general3A_123, %mul3A_125 : vector<512x512xf32>
    %reduce_max3A_127 = arith.constant dense<0xFF800000> : vector<512xf32>
    %reduce_max3A_128 = vector.multi_reduction <maximumf>, %mul3A_126, %reduce_max3A_127 [1] : vector<512x512xf32> to vector<512xf32>
    %broadcast_in_dim3A_129 = vector.shape_cast %reduce_max3A_128 : vector<512xf32> to vector<512x1xf32>
    %sub3A_130 = vector.broadcast %broadcast_in_dim3A_129 : vector<512x1xf32> to vector<512x512xf32>
    %sub3A_131 = arith.subf %mul3A_126, %sub3A_130 : vector<512x512xf32>
    %exp3A_132 = math.exp %sub3A_131 : vector<512x512xf32>
    %reduce_sum3A_133 = arith.constant dense<0.000000e+00> : vector<512xf32>
    %reduce_sum3A_134 = vector.multi_reduction <add>, %exp3A_132, %reduce_sum3A_133 [1] : vector<512x512xf32> to vector<512xf32>
    %broadcast_in_dim3A_135 = vector.shape_cast %reduce_sum3A_134 : vector<512xf32> to vector<512x1xf32>
    %div3A_136 = vector.broadcast %broadcast_in_dim3A_135 : vector<512x1xf32> to vector<512x512xf32>
    %div3A_137 = arith.divf %exp3A_132, %div3A_136 : vector<512x512xf32>
    %dot_general3A_138 = arith.constant dense<0.000000e+00> : vector<512x8xf32>
    %dot_general3A_139 = tpu.matmul %div3A_137, %slice3A_121, %dot_general3A_138 {dimension_numbers = #tpu.dot_dimension_numbers<[1], [0], [0], [1], [0, 0, 1, 1], [], []>, transpose_lhs_hint = false} : vector<512x512xf32>, vector<512x8xf32>, vector<512x8xf32> -> vector<512x8xf32>
    %slice3A_140 = vector.extract_strided_slice %add3A_17 {offsets = [0, 40], sizes = [512, 8], strides = [1, 1]} : vector<512x64xf32> to vector<512x8xf32>
    %slice3A_141 = vector.extract_strided_slice %add3A_29 {offsets = [0, 40], sizes = [512, 8], strides = [1, 1]} : vector<512x64xf32> to vector<512x8xf32>
    %slice3A_142 = vector.extract_strided_slice %add3A_41 {offsets = [0, 40], sizes = [512, 8], strides = [1, 1]} : vector<512x64xf32> to vector<512x8xf32>
    %dot_general3A_143 = arith.constant dense<0.000000e+00> : vector<512x512xf32>
    %dot_general3A_144 = tpu.matmul %slice3A_140, %slice3A_141, %dot_general3A_143 {dimension_numbers = #tpu.dot_dimension_numbers<[1], [1], [0], [0], [0, 0, 1, 0], [], []>, transpose_lhs_hint = false} : vector<512x8xf32>, vector<512x8xf32>, vector<512x512xf32> -> vector<512x512xf32>
    %mul3A_145 = arith.constant 0.353553385 : f32
    %mul3A_146 = vector.broadcast %mul3A_145 : f32 to vector<512x512xf32>
    %mul3A_147 = arith.mulf %dot_general3A_144, %mul3A_146 : vector<512x512xf32>
    %reduce_max3A_148 = arith.constant dense<0xFF800000> : vector<512xf32>
    %reduce_max3A_149 = vector.multi_reduction <maximumf>, %mul3A_147, %reduce_max3A_148 [1] : vector<512x512xf32> to vector<512xf32>
    %broadcast_in_dim3A_150 = vector.shape_cast %reduce_max3A_149 : vector<512xf32> to vector<512x1xf32>
    %sub3A_151 = vector.broadcast %broadcast_in_dim3A_150 : vector<512x1xf32> to vector<512x512xf32>
    %sub3A_152 = arith.subf %mul3A_147, %sub3A_151 : vector<512x512xf32>
    %exp3A_153 = math.exp %sub3A_152 : vector<512x512xf32>
    %reduce_sum3A_154 = arith.constant dense<0.000000e+00> : vector<512xf32>
    %reduce_sum3A_155 = vector.multi_reduction <add>, %exp3A_153, %reduce_sum3A_154 [1] : vector<512x512xf32> to vector<512xf32>
    %broadcast_in_dim3A_156 = vector.shape_cast %reduce_sum3A_155 : vector<512xf32> to vector<512x1xf32>
    %div3A_157 = vector.broadcast %broadcast_in_dim3A_156 : vector<512x1xf32> to vector<512x512xf32>
    %div3A_158 = arith.divf %exp3A_153, %div3A_157 : vector<512x512xf32>
    %dot_general3A_159 = arith.constant dense<0.000000e+00> : vector<512x8xf32>
    %dot_general3A_160 = tpu.matmul %div3A_158, %slice3A_142, %dot_general3A_159 {dimension_numbers = #tpu.dot_dimension_numbers<[1], [0], [0], [1], [0, 0, 1, 1], [], []>, transpose_lhs_hint = false} : vector<512x512xf32>, vector<512x8xf32>, vector<512x8xf32> -> vector<512x8xf32>
    %slice3A_161 = vector.extract_strided_slice %add3A_17 {offsets = [0, 48], sizes = [512, 8], strides = [1, 1]} : vector<512x64xf32> to vector<512x8xf32>
    %slice3A_162 = vector.extract_strided_slice %add3A_29 {offsets = [0, 48], sizes = [512, 8], strides = [1, 1]} : vector<512x64xf32> to vector<512x8xf32>
    %slice3A_163 = vector.extract_strided_slice %add3A_41 {offsets = [0, 48], sizes = [512, 8], strides = [1, 1]} : vector<512x64xf32> to vector<512x8xf32>
    %dot_general3A_164 = arith.constant dense<0.000000e+00> : vector<512x512xf32>
    %dot_general3A_165 = tpu.matmul %slice3A_161, %slice3A_162, %dot_general3A_164 {dimension_numbers = #tpu.dot_dimension_numbers<[1], [1], [0], [0], [0, 0, 1, 0], [], []>, transpose_lhs_hint = false} : vector<512x8xf32>, vector<512x8xf32>, vector<512x512xf32> -> vector<512x512xf32>
    %mul3A_166 = arith.constant 0.353553385 : f32
    %mul3A_167 = vector.broadcast %mul3A_166 : f32 to vector<512x512xf32>
    %mul3A_168 = arith.mulf %dot_general3A_165, %mul3A_167 : vector<512x512xf32>
    %reduce_max3A_169 = arith.constant dense<0xFF800000> : vector<512xf32>
    %reduce_max3A_170 = vector.multi_reduction <maximumf>, %mul3A_168, %reduce_max3A_169 [1] : vector<512x512xf32> to vector<512xf32>
    %broadcast_in_dim3A_171 = vector.shape_cast %reduce_max3A_170 : vector<512xf32> to vector<512x1xf32>
    %sub3A_172 = vector.broadcast %broadcast_in_dim3A_171 : vector<512x1xf32> to vector<512x512xf32>
    %sub3A_173 = arith.subf %mul3A_168, %sub3A_172 : vector<512x512xf32>
    %exp3A_174 = math.exp %sub3A_173 : vector<512x512xf32>
    %reduce_sum3A_175 = arith.constant dense<0.000000e+00> : vector<512xf32>
    %reduce_sum3A_176 = vector.multi_reduction <add>, %exp3A_174, %reduce_sum3A_175 [1] : vector<512x512xf32> to vector<512xf32>
    %broadcast_in_dim3A_177 = vector.shape_cast %reduce_sum3A_176 : vector<512xf32> to vector<512x1xf32>
    %div3A_178 = vector.broadcast %broadcast_in_dim3A_177 : vector<512x1xf32> to vector<512x512xf32>
    %div3A_179 = arith.divf %exp3A_174, %div3A_178 : vector<512x512xf32>
    %dot_general3A_180 = arith.constant dense<0.000000e+00> : vector<512x8xf32>
    %dot_general3A_181 = tpu.matmul %div3A_179, %slice3A_163, %dot_general3A_180 {dimension_numbers = #tpu.dot_dimension_numbers<[1], [0], [0], [1], [0, 0, 1, 1], [], []>, transpose_lhs_hint = false} : vector<512x512xf32>, vector<512x8xf32>, vector<512x8xf32> -> vector<512x8xf32>
    %slice3A_182 = vector.extract_strided_slice %add3A_17 {offsets = [0, 56], sizes = [512, 8], strides = [1, 1]} : vector<512x64xf32> to vector<512x8xf32>
    %slice3A_183 = vector.extract_strided_slice %add3A_29 {offsets = [0, 56], sizes = [512, 8], strides = [1, 1]} : vector<512x64xf32> to vector<512x8xf32>
    %slice3A_184 = vector.extract_strided_slice %add3A_41 {offsets = [0, 56], sizes = [512, 8], strides = [1, 1]} : vector<512x64xf32> to vector<512x8xf32>
    %dot_general3A_185 = arith.constant dense<0.000000e+00> : vector<512x512xf32>
    %dot_general3A_186 = tpu.matmul %slice3A_182, %slice3A_183, %dot_general3A_185 {dimension_numbers = #tpu.dot_dimension_numbers<[1], [1], [0], [0], [0, 0, 1, 0], [], []>, transpose_lhs_hint = false} : vector<512x8xf32>, vector<512x8xf32>, vector<512x512xf32> -> vector<512x512xf32>
    %mul3A_187 = arith.constant 0.353553385 : f32
    %mul3A_188 = vector.broadcast %mul3A_187 : f32 to vector<512x512xf32>
    %mul3A_189 = arith.mulf %dot_general3A_186, %mul3A_188 : vector<512x512xf32>
    %reduce_max3A_190 = arith.constant dense<0xFF800000> : vector<512xf32>
    %reduce_max3A_191 = vector.multi_reduction <maximumf>, %mul3A_189, %reduce_max3A_190 [1] : vector<512x512xf32> to vector<512xf32>
    %broadcast_in_dim3A_192 = vector.shape_cast %reduce_max3A_191 : vector<512xf32> to vector<512x1xf32>
    %sub3A_193 = vector.broadcast %broadcast_in_dim3A_192 : vector<512x1xf32> to vector<512x512xf32>
    %sub3A_194 = arith.subf %mul3A_189, %sub3A_193 : vector<512x512xf32>
    %exp3A_195 = math.exp %sub3A_194 : vector<512x512xf32>
    %reduce_sum3A_196 = arith.constant dense<0.000000e+00> : vector<512xf32>
    %reduce_sum3A_197 = vector.multi_reduction <add>, %exp3A_195, %reduce_sum3A_196 [1] : vector<512x512xf32> to vector<512xf32>
    %broadcast_in_dim3A_198 = vector.shape_cast %reduce_sum3A_197 : vector<512xf32> to vector<512x1xf32>
    %div3A_199 = vector.broadcast %broadcast_in_dim3A_198 : vector<512x1xf32> to vector<512x512xf32>
    %div3A_200 = arith.divf %exp3A_195, %div3A_199 : vector<512x512xf32>
    %dot_general3A_201 = arith.constant dense<0.000000e+00> : vector<512x8xf32>
    %dot_general3A_202 = tpu.matmul %div3A_200, %slice3A_184, %dot_general3A_201 {dimension_numbers = #tpu.dot_dimension_numbers<[1], [0], [0], [1], [0, 0, 1, 1], [], []>, transpose_lhs_hint = false} : vector<512x512xf32>, vector<512x8xf32>, vector<512x8xf32> -> vector<512x8xf32>
    %concatenate3A_203 = tpu.concatenate %dot_general3A_55, %dot_general3A_76, %dot_general3A_97, %dot_general3A_118, %dot_general3A_139, %dot_general3A_160, %dot_general3A_181, %dot_general3A_202 in 1 : vector<512x8xf32>, vector<512x8xf32>, vector<512x8xf32>, vector<512x8xf32>, vector<512x8xf32>, vector<512x8xf32>, vector<512x8xf32>, vector<512x8xf32> -> vector<512x64xf32>
    %get3A_204 = arith.constant 0 : index
    %get3A_205 = arith.constant 0 : index
    %get3A_206 = vector.load %arg9[%get3A_204, %get3A_205] : memref<64x64xf32, #tpu.memory_space<vmem>>, vector<64x64xf32>
    %dot_general3A_207 = arith.constant dense<0.000000e+00> : vector<512x64xf32>
    %dot_general3A_208 = tpu.matmul %concatenate3A_203, %get3A_206, %dot_general3A_207 {dimension_numbers = #tpu.dot_dimension_numbers<[1], [0], [0], [1], [0, 0, 1, 1], [], []>, transpose_lhs_hint = false} : vector<512x64xf32>, vector<64x64xf32>, vector<512x64xf32> -> vector<512x64xf32>
    %get3A_209 = arith.constant 0 : index
    %get3A_210 = arith.constant 0 : index
    %get3A_211 = vector.load %arg10[%get3A_209, %get3A_210] : memref<1x64xf32, #tpu.memory_space<vmem>>, vector<1x64xf32>
    %get3A_212 = vector.shape_cast %get3A_211 : vector<1x64xf32> to vector<64xf32>
    %broadcast_in_dim3A_213 = vector.shape_cast %get3A_212 : vector<64xf32> to vector<1x64xf32>
    %add3A_214 = vector.broadcast %broadcast_in_dim3A_213 : vector<1x64xf32> to vector<512x64xf32>
    %add3A_215 = arith.addf %dot_general3A_208, %add3A_214 : vector<512x64xf32>
    %mul3A_216 = arith.constant 5.000000e-01 : f32
    %mul3A_217 = vector.broadcast %mul3A_216 : f32 to vector<512x64xf32>
    %mul3A_218 = arith.mulf %mul3A_217, %add3A_215 : vector<512x64xf32>
    %mul3A_219 = arith.constant 0.707106769 : f32
    %mul3A_220 = vector.broadcast %mul3A_219 : f32 to vector<512x64xf32>
    %mul3A_221 = arith.mulf %add3A_215, %mul3A_220 : vector<512x64xf32>
    %abs3A = math.absf %mul3A_221 : vector<512x64xf32>
    %mul3A_222 = arith.constant 0.327591091 : f32
    %mul3A_223 = vector.broadcast %mul3A_222 : f32 to vector<512x64xf32>
    %mul3A_224 = arith.mulf %mul3A_223, %abs3A : vector<512x64xf32>
    %add3A_225 = arith.constant 1.000000e+00 : f32
    %add3A_226 = vector.broadcast %add3A_225 : f32 to vector<512x64xf32>
    %add3A_227 = arith.addf %add3A_226, %mul3A_224 : vector<512x64xf32>
    %div3A_228 = arith.constant 1.000000e+00 : f32
    %div3A_229 = vector.broadcast %div3A_228 : f32 to vector<512x64xf32>
    %div3A_230 = arith.divf %div3A_229, %add3A_227 : vector<512x64xf32>
    %mul3A_231 = arith.constant 1.06140542 : f32
    %mul3A_232 = vector.broadcast %mul3A_231 : f32 to vector<512x64xf32>
    %mul3A_233 = arith.mulf %mul3A_232, %div3A_230 : vector<512x64xf32>
    %add3A_234 = arith.constant -1.45315206 : f32
    %add3A_235 = vector.broadcast %add3A_234 : f32 to vector<512x64xf32>
    %add3A_236 = arith.addf %mul3A_233, %add3A_235 : vector<512x64xf32>
    %mul3A_237 = arith.mulf %add3A_236, %div3A_230 : vector<512x64xf32>
    %add3A_238 = arith.constant 1.42141378 : f32
    %add3A_239 = vector.broadcast %add3A_238 : f32 to vector<512x64xf32>
    %add3A_240 = arith.addf %mul3A_237, %add3A_239 : vector<512x64xf32>
    %mul3A_241 = arith.mulf %add3A_240, %div3A_230 : vector<512x64xf32>
    %add3A_242 = arith.constant -0.284496725 : f32
    %add3A_243 = vector.broadcast %add3A_242 : f32 to vector<512x64xf32>
    %add3A_244 = arith.addf %mul3A_241, %add3A_243 : vector<512x64xf32>
    %mul3A_245 = arith.mulf %add3A_244, %div3A_230 : vector<512x64xf32>
    %add3A_246 = arith.constant 0.254829586 : f32
    %add3A_247 = vector.broadcast %add3A_246 : f32 to vector<512x64xf32>
    %add3A_248 = arith.addf %mul3A_245, %add3A_247 : vector<512x64xf32>
    %mul3A_249 = arith.mulf %add3A_248, %div3A_230 : vector<512x64xf32>
    %neg3A = arith.constant 0.000000e+00 : f32
    %neg3A_250 = vector.broadcast %neg3A : f32 to vector<512x64xf32>
    %neg3A_251 = arith.subf %neg3A_250, %abs3A : vector<512x64xf32>
    %mul3A_252 = arith.mulf %neg3A_251, %abs3A : vector<512x64xf32>
    %exp3A_253 = math.exp %mul3A_252 : vector<512x64xf32>
    %mul3A_254 = arith.mulf %mul3A_249, %exp3A_253 : vector<512x64xf32>
    %sub3A_255 = arith.constant 1.000000e+00 : f32
    %sub3A_256 = vector.broadcast %sub3A_255 : f32 to vector<512x64xf32>
    %sub3A_257 = arith.subf %sub3A_256, %mul3A_254 : vector<512x64xf32>
    %sign3A = tpu.bitcast %mul3A_221 : vector<512x64xf32> -> vector<512x64xi32>
    %sign3A_258 = arith.constant -2147483648 : i32
    %sign3A_259 = vector.broadcast %sign3A_258 : i32 to vector<512x64xi32>
    %sign3A_260 = arith.andi %sign3A, %sign3A_259 : vector<512x64xi32>
    %sign3A_261 = arith.constant 1065353216 : i32
    %sign3A_262 = vector.broadcast %sign3A_261 : i32 to vector<512x64xi32>
    %sign3A_263 = arith.ori %sign3A_262, %sign3A_260 : vector<512x64xi32>
    %sign3A_264 = tpu.bitcast %sign3A_263 : vector<512x64xi32> -> vector<512x64xf32>
    %sign3A_265 = math.absf %mul3A_221 : vector<512x64xf32>
    %sign3A_266 = arith.constant 0.000000e+00 : f32
    %sign3A_267 = vector.broadcast %sign3A_266 : f32 to vector<512x64xf32>
    %sign3A_268 = arith.cmpf ogt, %sign3A_265, %sign3A_267 : vector<512x64xf32>
    %sign3A_269 = arith.select %sign3A_268, %sign3A_264, %mul3A_221 : vector<512x64xi1>, vector<512x64xf32>
    %mul3A_270 = arith.mulf %sign3A_269, %sub3A_257 : vector<512x64xf32>
    %add3A_271 = arith.constant 1.000000e+00 : f32
    %add3A_272 = vector.broadcast %add3A_271 : f32 to vector<512x64xf32>
    %add3A_273 = arith.addf %add3A_272, %mul3A_270 : vector<512x64xf32>
    %mul3A_274 = arith.mulf %mul3A_218, %add3A_273 : vector<512x64xf32>
    %get3A_275 = arith.constant 0 : index
    %get3A_276 = arith.constant 0 : index
    %get3A_277 = vector.load %arg11[%get3A_275, %get3A_276] : memref<1x64xf32, #tpu.memory_space<vmem>>, vector<1x64xf32>
    %get3A_278 = vector.shape_cast %get3A_277 : vector<1x64xf32> to vector<64xf32>
    %get3A_279 = arith.constant 0 : index
    %get3A_280 = arith.constant 0 : index
    %get3A_281 = vector.load %arg12[%get3A_279, %get3A_280] : memref<1x64xf32, #tpu.memory_space<vmem>>, vector<1x64xf32>
    %get3A_282 = vector.shape_cast %get3A_281 : vector<1x64xf32> to vector<64xf32>
    %reduce_sum3A_283 = arith.constant dense<0.000000e+00> : vector<512xf32>
    %reduce_sum3A_284 = vector.multi_reduction <add>, %mul3A_274, %reduce_sum3A_283 [1] : vector<512x64xf32> to vector<512xf32>
    %broadcast_in_dim3A_285 = vector.shape_cast %reduce_sum3A_284 : vector<512xf32> to vector<512x1xf32>
    %div3A_286 = arith.constant 6.400000e+01 : f32
    %div3A_287 = vector.broadcast %div3A_286 : f32 to vector<512x1xf32>
    %div3A_288 = arith.divf %broadcast_in_dim3A_285, %div3A_287 : vector<512x1xf32>
    %sub3A_289 = vector.broadcast %div3A_288 : vector<512x1xf32> to vector<512x64xf32>
    %sub3A_290 = arith.subf %mul3A_274, %sub3A_289 : vector<512x64xf32>
    %integer_pow3A = arith.mulf %sub3A_290, %sub3A_290 : vector<512x64xf32>
    %reduce_sum3A_291 = arith.constant dense<0.000000e+00> : vector<512xf32>
    %reduce_sum3A_292 = vector.multi_reduction <add>, %integer_pow3A, %reduce_sum3A_291 [1] : vector<512x64xf32> to vector<512xf32>
    %broadcast_in_dim3A_293 = vector.shape_cast %reduce_sum3A_292 : vector<512xf32> to vector<512x1xf32>
    %div3A_294 = arith.constant 6.400000e+01 : f32
    %div3A_295 = vector.broadcast %div3A_294 : f32 to vector<512x1xf32>
    %div3A_296 = arith.divf %broadcast_in_dim3A_293, %div3A_295 : vector<512x1xf32>
    %sub3A_297 = vector.broadcast %div3A_288 : vector<512x1xf32> to vector<512x64xf32>
    %sub3A_298 = arith.subf %mul3A_274, %sub3A_297 : vector<512x64xf32>
    %add3A_299 = arith.constant 1.000000e-03 : f32
    %add3A_300 = vector.broadcast %add3A_299 : f32 to vector<512x1xf32>
    %add3A_301 = arith.addf %div3A_296, %add3A_300 : vector<512x1xf32>
    %sqrt3A = math.sqrt %add3A_301 : vector<512x1xf32>
    %div3A_302 = vector.broadcast %sqrt3A : vector<512x1xf32> to vector<512x64xf32>
    %div3A_303 = arith.divf %sub3A_298, %div3A_302 : vector<512x64xf32>
    %broadcast_in_dim3A_304 = vector.shape_cast %get3A_278 : vector<64xf32> to vector<1x64xf32>
    %mul3A_305 = vector.broadcast %broadcast_in_dim3A_304 : vector<1x64xf32> to vector<512x64xf32>
    %mul3A_306 = arith.mulf %div3A_303, %mul3A_305 : vector<512x64xf32>
    %broadcast_in_dim3A_307 = vector.shape_cast %get3A_282 : vector<64xf32> to vector<1x64xf32>
    %add3A_308 = vector.broadcast %broadcast_in_dim3A_307 : vector<1x64xf32> to vector<512x64xf32>
    %add3A_309 = arith.addf %mul3A_306, %add3A_308 : vector<512x64xf32>
    %swap3A = arith.constant 0 : index
    %swap3A_310 = arith.constant 0 : index
    %swap3A_311 = arith.constant 0 : index
    %swap3A_312 = vector.load %arg13[%swap3A, %swap3A_310, %swap3A_311] : memref<1x512x64xf32, #tpu.memory_space<vmem>>, vector<1x512x64xf32>
    %swap3A_313 = vector.shape_cast %swap3A_312 : vector<1x512x64xf32> to vector<512x64xf32>
    %swap3A_314 = vector.shape_cast %add3A_309 : vector<512x64xf32> to vector<1x512x64xf32>
    tpu.vector_store %arg13[%swap3A, %swap3A_310, %swap3A_311], %swap3A_314 {strides = array<i32>} : memref<1x512x64xf32, #tpu.memory_space<vmem>>, vector<1x512x64xf32>,
    return
  }
  func.func @transform_0(%arg0: i32) -> (i32, i32, i32) {
    %c0_i32 = arith.constant 0 : i32
    %c0_i32_0 = arith.constant 0 : i32
    %c0_i32_1 = arith.constant 0 : i32
    return %arg0, %c0_i32, %c0_i32_0 : i32, i32, i32
  }
  func.func @transform_1(%arg0: i32) -> (i32, i32, i32) {
    %c0_i32 = arith.constant 0 : i32
    %c0_i32_0 = arith.constant 0 : i32
    %c0_i32_1 = arith.constant 0 : i32
    return %arg0, %c0_i32, %c0_i32_0 : i32, i32, i32
  }
  func.func @transform_2(%arg0: i32) -> (i32, i32) {
    %c0_i32 = arith.constant 0 : i32
    %c0_i32_0 = arith.constant 0 : i32
    %c0_i32_1 = arith.constant 0 : i32
    return %c0_i32, %c0_i32_0 : i32, i32
  }
  func.func @transform_3(%arg0: i32) -> (i32, i32) {
    %c0_i32 = arith.constant 0 : i32
    %c0_i32_0 = arith.constant 0 : i32
    %c0_i32_1 = arith.constant 0 : i32
    return %c0_i32, %c0_i32_0 : i32, i32
  }
  func.func @transform_4(%arg0: i32) -> (i32, i32) {
    %c0_i32 = arith.constant 0 : i32
    %c0_i32_0 = arith.constant 0 : i32
    %c0_i32_1 = arith.constant 0 : i32
    return %c0_i32, %c0_i32_0 : i32, i32
  }
  func.func @transform_5(%arg0: i32) -> (i32, i32) {
    %c0_i32 = arith.constant 0 : i32
    %c0_i32_0 = arith.constant 0 : i32
    %c0_i32_1 = arith.constant 0 : i32
    return %c0_i32, %c0_i32_0 : i32, i32
  }
  func.func @transform_6(%arg0: i32) -> (i32, i32) {
    %c0_i32 = arith.constant 0 : i32
    %c0_i32_0 = arith.constant 0 : i32
    %c0_i32_1 = arith.constant 0 : i32
    return %c0_i32, %c0_i32_0 : i32, i32
  }
  func.func @transform_7(%arg0: i32) -> (i32, i32) {
    %c0_i32 = arith.constant 0 : i32
    %c0_i32_0 = arith.constant 0 : i32
    %c0_i32_1 = arith.constant 0 : i32
    return %c0_i32, %c0_i32_0 : i32, i32
  }
  func.func @transform_8(%arg0: i32) -> (i32, i32) {
    %c0_i32 = arith.constant 0 : i32
    %c0_i32_0 = arith.constant 0 : i32
    %c0_i32_1 = arith.constant 0 : i32
    return %c0_i32, %c0_i32_0 : i32, i32
  }
  func.func @transform_9(%arg0: i32) -> (i32, i32) {
    %c0_i32 = arith.constant 0 : i32
    %c0_i32_0 = arith.constant 0 : i32
    %c0_i32_1 = arith.constant 0 : i32
    return %c0_i32, %c0_i32_0 : i32, i32
  }
  func.func @transform_10(%arg0: i32) -> (i32, i32) {
    %c0_i32 = arith.constant 0 : i32
    %c0_i32_0 = arith.constant 0 : i32
    %c0_i32_1 = arith.constant 0 : i32
    return %c0_i32, %c0_i32_0 : i32, i32
  }
  func.func @transform_11(%arg0: i32) -> (i32, i32) {
    %c0_i32 = arith.constant 0 : i32
    %c0_i32_0 = arith.constant 0 : i32
    %c0_i32_1 = arith.constant 0 : i32
    return %c0_i32, %c0_i32_0 : i32, i32
  }
  func.func @transform_12(%arg0: i32) -> (i32, i32, i32) {
    %c0_i32 = arith.constant 0 : i32
    %c0_i32_0 = arith.constant 0 : i32
    %c0_i32_1 = arith.constant 0 : i32
    return %arg0, %c0_i32, %c0_i32_0 : i32, i32, i32
  }
}

</mosaic_0001>

<sc_bundles>
// kernel: kernel.6.cloned.1.call-start
scs
__scs_entry_jumppad:
0x0: {  	(pc) =	sbr.rel $0x88, $3  }
0x1: {  	(tag) =	ssettag $0x0;
	lr =	simm.s32 $0x1  }
0x2: {  	[smem:$0x3F8D] =	sst lr;
	_ =	strace $0xD0000000  }
0x3: {  	_ = 	snop  }
0x4: {  	_ = 	snop  }
0x5: {  	_ = 	snop  }
0x6: {  	_ = 	snop  }
0x7: {  	_ = 	snop  }
__scs_overlays_trampoline_lowered:
0x8: {  	[smem:$0x3F9C] =	sst s0  }
0x9: {  	[smem:$0x3F9D] =	sst s1  }
0xa: {  	[smem:$0x3F9E] =	sst s2  }
0xb: {  	[smem:$0x3F9F] =	sst s3  }
0xc: {  	[smem:$0x3FA0] =	sst s4  }
0xd: {  	[smem:$0x3FA1] =	sst s5  }
0xe: {  	[smem:$0x3FA2] =	sst s6  }
0xf: {  	[smem:$0x3FA3] =	sst s7  }
0x10: {  	[smem:$0x3FA4] =	sst s8  }
0x11: {  	[smem:$0x3FA5] =	sst s9;
	s0 =	simm.s32 @!p0 $0x0  }
0x12: {  	s1 =	sld [smem:$0x3F8B];
	s0 =	simm.s32 @p0 $0x1  }
0x13: {  	[smem:$0x3FA6] =	sst s0;
	s0 =	simm.s32 @!p1 $0x0  }
0x14: {  	s2 =	sld [smem:$0x3F8A];
	s0 =	simm.s32 @p1 $0x1  }
0x15: {  	[smem:$0x3FA7] =	sst s0;
	s0 =	simm.s32 @!p2 $0x0  }
0x16: {  	s3 =	sld [smem:$0x3FDB];
	s0 =	simm.s32 @p2 $0x1  }
0x17: {  	s4 =	simm.s32 $0x1BF5;
	[smem:$0x3FA9] =	sst s0  }
0x18: {  	s0 =	sld [smem:$0x3F8C];
	_ =	swait.ge [sflag:s4], $0x0  }
0x19: {  	s7 =	sld [smem:$0x3F8D]  }
0x1a: {  	s8 =	sadd.s32 $0xFFFFE003, lr  }
0x1b: {  	s9 =	sadd.s32 $0xFFFFFEF7, lr;
	s5 =	simm.s32 $0xFFFFFFFF;
	p2 =	slt.u32 s8, $0xFFFFF086  }
0x1c: {  	p1 =	slt.u32 s9, $0xF7A;
	s5 =	simm.s32 @!p2 $0x0  }
0x1d: {  	s5 =	simm.s32 @p1 $0x1;
	p0 =	seq.s32 s7, s2  }
0x1e: {  	s7 =	smul.u32 @!p0 $0xF7A, s2;
	p2 =	seq.s32 @!p0 s5, $0x0  }
0x1f: {  	s9 =	smul.u32 $0xF7A, s1;
	s8 =	simm.s32 @!p0 $0x1BF5;
	p2 =	por !p2, p0  }
0x20: {  	[sflag:s8] =	ssyncset.s32 @!p0 $0xFFFFF086;
	s6 =	sadd.s32 @!p0 s3, s7;
	s7 =	simm.s32 @!p0 $0x108  }
0x21: {  	s3 =	sadd.s32 s3, s9;
	s6 =	sadd.s32 @!p0 $0x88, s6;
	s7 =	simm.s32 @p2 $0x1082  }
0x22: {  	[simem:s7], [sflag:s8] =	dma.local @!p0 [hbm:s6], $0xF7A  }
0x23: {  	s9 =	sor.u32 $0xD0000000, s2;
	s6 =	simm.s32 $0x108;
	_ =	swait.ge @!p0 [sflag:s8], $0x0  }
0x24: {  	s3 =	sadd.s32 $0x88, s3;
	s6 =	simm.s32 @!p1 $0x1082;
	[sflag:s4] =	ssyncset.s32 $0xFFFFF086  }
0x25: {  	[simem:s6], [sflag:s4] =	dma.local [hbm:s3], $0xF7A  }
0x26: {  	[smem:$0x3F8D] =	sst s1;
	(tag) =	ssettag s2;
	_ =	strace s9  }
0x27: {  	s1 =	sld [smem:$0x3F9D]  }
0x28: {  	s2 =	sld [smem:$0x3F9E]  }
0x29: {  	s4 =	sld [smem:$0x3FA0]  }
0x2a: {  	p0 =	seq.s32 s5, $0x0;
	s5 =	sld [smem:$0x3FA1]  }
0x2b: {  	s6 =	sld [smem:$0x3FA2]  }
0x2c: {  	s7 =	sld [smem:$0x3FA3]  }
0x2d: {  	s3 =	simm.s32 $0x108;
	s8 =	sld [smem:$0x3FA4]  }
0x2e: {  	s3 =	simm.s32 @!p0 $0x1082;
	s9 =	sld [smem:$0x3FA5]  }
0x2f: {  	lr =	sadd.s32 s0, s3;
	s0 =	sld [smem:$0x3F9C]  }
0x30: {  	s3 =	sld [smem:$0x3F9F]  }
0x31: {  	[smem:$0x3FA8] =	sst s10  }
0x32: {  	s10 =	sld [smem:$0x3FA6];
	_ =	sdelay $0x3  }
0x33: {  	p0 =	seq.s32 s10, $0x1;
	s10 =	sld [smem:$0x3FA8];
	_ =	sdelay $0x3  }
0x34: {  	[smem:$0x3FA8] =	sst s10  }
0x35: {  	s10 =	sld [smem:$0x3FA7];
	_ =	sdelay $0x3  }
0x36: {  	p1 =	seq.s32 s10, $0x1;
	s10 =	sld [smem:$0x3FA8];
	_ =	sdelay $0x3  }
0x37: {  	[smem:$0x3FA8] =	sst s10  }
0x38: {  	s10 =	sld [smem:$0x3FA9]  }
0x39: {  	_ = 	snop;
	(pc) =	sbr.ind lr, $3  }
0x3a: {  	_ = 	snop  }
0x3b: {  	_ = 	snop  }
0x3c: {  	p2 =	seq.s32 s10, $0x1;
	s10 =	sld [smem:$0x3FA8]  }
0x3d: {  	_ =	shalt  }
0x3e: {  	_ =	shalt  }
0x3f: {  	_ =	shalt  }
0x40: {  	_ =	shalt  }
0x41: {  	_ =	shalt  }
0x42: {  	_ =	shalt  }
0x43: {  	_ =	shalt  }
0x44: {  	_ =	shalt  }
0x45: {  	_ =	shalt  }
0x46: {  	_ =	shalt  }
0x47: {  	_ =	shalt  }
0x48: {  	_ =	shalt  }
0x49: {  	_ =	shalt  }
0x4a: {  	_ =	shalt  }
0x4b: {  	_ =	shalt  }
0x4c: {  	_ =	shalt  }
0x4d: {  	_ =	shalt  }
0x4e: {  	_ =	shalt  }
0x4f: {  	_ =	shalt  }
0x50: {  	_ =	shalt  }
0x51: {  	_ =	shalt  }
0x52: {  	_ =	shalt  }
0x53: {  	_ =	shalt  }
0x54: {  	_ =	shalt  }
0x55: {  	_ =	shalt  }
0x56: {  	_ =	shalt  }
0x57: {  	_ =	shalt  }
0x58: {  	_ =	shalt  }
0x59: {  	_ =	shalt  }
0x5a: {  	_ =	shalt  }
0x5b: {  	_ =	shalt  }
0x5c: {  	_ =	shalt  }
0x5d: {  	_ =	shalt  }
0x5e: {  	_ =	shalt  }
0x5f: {  	_ =	shalt  }
0x60: {  	_ =	shalt  }
0x61: {  	_ =	shalt  }
0x62: {  	_ =	shalt  }
0x63: {  	_ =	shalt  }
0x64: {  	_ =	shalt  }
0x65: {  	_ =	shalt  }
0x66: {  	_ =	shalt  }
0x67: {  	_ =	shalt  }
0x68: {  	_ =	shalt  }
0x69: {  	_ =	shalt  }
0x6a: {  	_ =	shalt  }
0x6b: {  	_ =	shalt  }
0x6c: {  	_ =	shalt  }
0x6d: {  	_ =	shalt  }
0x6e: {  	_ =	shalt  }
0x6f: {  	_ =	shalt  }
0x70: {  	_ =	shalt  }
0x71: {  	_ =	shalt  }
0x72: {  	_ =	shalt  }
0x73: {  	_ =	shalt  }
0x74: {  	_ =	shalt  }
0x75: {  	_ =	shalt  }
0x76: {  	_ =	shalt  }
0x77: {  	_ =	shalt  }
0x78: {  	_ =	shalt  }
0x79: {  	_ =	shalt  }
0x7a: {  	_ =	shalt  }
0x7b: {  	_ =	shalt  }
0x7c: {  	_ =	shalt  }
0x7d: {  	_ =	shalt  }
0x7e: {  	_ =	shalt  }
0x7f: {  	_ =	shalt  }
0x80: {  	_ =	shalt  }
0x81: {  	_ =	shalt  }
0x82: {  	_ =	shalt  }
0x83: {  	_ =	shalt  }
0x84: {  	_ =	shalt  }
0x85: {  	_ =	shalt  }
0x86: {  	_ =	shalt  }
0x87: {  	_ =	shalt  }
.Lfunc_end0:
.L_simem_size_0:
called_computation_lowered:
.L_overlay_start_0:
0x88: {  	s2 =	sld [smem:$0x3FD9]  }
0x89: {  	s3 =	sld [smem:$0x3FFE];
	_ =	sdelay $0x1  }
0x8a: {  	s1 =	srdreg.scid  }
0x8b: {  	s0 =	sand.u32 $0x1, s1  }
0x8c: {  	s14 =	sshll.u32 s0, $0xA;
	s2 =	sadd.s32 s3, s2  }
0x8d: {  	s2 =	sadd.s32 s2, s14  }
0x8e: {  	[smem:$0x3FB4] =	sst s2  }
0x8f: {  	_ = 	snop  }
0x90: {  	s2 =	sld [smem:$0x3FD0];
	_ =	sdelay $0x2  }
0x91: {  	s15 =	simm.s32 $0xA;
	s4 =	simm.s32 $0x10  }
0x92: {  	[smem:s4], [sflag:s15] =	dma.local [hbm:s2], $0x1  }
0x93: {  	_ =	swait.eq [sflag:s15], $0x1  }
0x94: {  	[sflag:s15] =	ssyncset.done $0x0  }
0x95: {  	s16 =	sld [smem:$0x12];
	[sflag:s15] =	ssyncadd.s32 $0xFFFFFFFF  }
0x96: {  	s17 =	sld [smem:$0x13];
	(tm) =	ssettm $0x1  }
0x97: {  	s18 =	sld [smem:$0x3FFB];
	_ =	sdelay $0x3  }
0x98: {  	_ =	strace s18  }
0x99: {  	s4 =	sld [smem:$0x3FFC];
	_ =	sdelay $0x3  }
0x9a: {  	_ =	strace s4  }
0x9b: {  	s4 =	sld [smem:$0x3FFD];
	_ =	sdelay $0x3  }
0x9c: {  	_ =	strace s4  }
0x9d: {  	_ =	strace $0x8FFFFFFF  }
0x9e: {  	s19 =	sld [smem:$0x3FDB];
	_ =	sdelay $0x1  }
0x9f: {  	s5 =	simm.s32 $_scs_section_size  }
0xa0: {  	s6 =	simm.s32 $_size__tile_overlayer_lowered;
	s7 =	simm.s32 $_tile_overlayer_lowered  }
0xa1: {  	s22 =	simm.s32 $0x1BFF;
	s21 =	sshll.u32 s7, $0x1;
	s4 =	sadd.s32 s5, s19  }
0xa2: {  	s8 =	simm.s32 $0x0;
	s20 =	sshll.u32 s6, $0x1;
	s6 =	sadd.s32 s21, s4  }
0xa3: {  	[timem:s8], [sflag:s22] =	dma.local [hbm:s6], s20  }
0xa4: {  	_ =	swait.ge [sflag:s22], s20  }
0xa5: {  	s5 =	ssub.s32 $0x0, s20;
	[sflag:s22] =	ssyncset.done $0x0  }
0xa6: {  	[sflag:s22] =	ssyncadd.s32 s5;
	_ =	sdelay $0x1  }
0xa7: {  	s23 =	simm.s32 $0x1B8B  }
0xa8: {  	_ =	swait.ge [sflag:s23], $0x1  }
0xa9: {  	[sflag:s23] =	ssyncset.done $0x0  }
0xaa: {  	s25 =	simm.s32 $0x1B8E;
	s24 =	sld [smem:$0x3FFE];
	[sflag:s23] =	ssyncadd.s32 $0xFFFFFFFF  }
0xab: {  	s26 =	simm.s32 $execute0_lowered;
	[smem:$0x3FD2] =	sst s25  }
0xac: {  	s6 =	sshll.u32 s26, $0x1;
	_ =	strace $0x80000046;
	[dreg:$0x1] =	wrdreg $0xFFFFFFFF  }
0xad: {  	s28 =	simm.s32 $_size_execute0_lowered;
	s4 =	sadd.s32 s4, s6;
	[dreg:$0x0] =	wrdreg $0x0  }
0xae: {  	s6 =	sshll.u32 s28, $0x1;
	[dreg:$0x2] =	wrdreg s4  }
0xaf: {  	[dreg:$0x3] =	wrdreg s6  }
0xb0: {  	[dreg:$0x4] =	wrdreg $0xC0  }
0xb1: {  	_ =	task [dreg:s8], $0x5FFFF  }
0xb2: {  	[dreg:$0x1] =	wrdreg $0xFFFFFFFF  }
0xb3: {  	[dreg:$0x0] =	wrdreg $0x60  }
0xb4: {  	[dreg:$0x2] =	wrdreg s16  }
0xb5: {  	[dreg:$0x3] =	wrdreg s17  }
0xb6: {  	[dreg:$0x4] =	wrdreg s24  }
0xb7: {  	[dreg:$0x5] =	wrdreg $0x9  }
0xb8: {  	_ =	task.clear_ibuf [dreg:s8], $0x6FFFF;
	_ =	strace $0x90000046  }
0xb9: {  	s29 =	simm.s32 $0x9;
	_ =	strace $0x80000048  }
0xba: {  	_ =	swait.ge [sflag:s29], $0x1  }
0xbb: {  	[sflag:s29] =	ssyncadd.s32 $0xFFFFFFFF  }
0xbc: {  	_ =	strace $0x90000048  }
0xbd: {  	_ =	sfence  }
0xbe: {  	s30 =	sld [smem:$0x0];
	_ =	sdelay $0x2  }
0xbf: {  	s31 =	sshll.u32 s1, $0xD;
	s1 =	sshrl.u32 s1, $0x2  }
0xc0: {  	s3 =	sand.u32 $0x4000, s31;
	s1 =	sadd.s32 s1, s30  }
0xc1: {  	s0 =	sor.u32 s3, s0;
	s1 =	sshll.u32 s1, $0x11  }
0xc2: {  	s0 =	sor.u32 s1, s0  }
0xc3: {  	s0 =	sadd.s32 $0x8F2B, s0  }
0xc4: {  	[sflag:s0] =	ssyncadd.remote.s32 $0x1  }
0xc5: {  	_ =	sfence.sel $0xFFFF  }
0xc6: {  	[dreg:$0x0] =	wrdreg $0xFFFFFFFF;
	(pc) =	sbr.abs _section_cstart, $3  }
0xc7: {  	[dreg:$0x1] =	wrdreg $0xFFFFFFFF  }
0xc8: {  	_ =	task.clear_ibuf [dreg:s8], $0x2FFFF;
	_ =	strace $0x9FFFFFFF  }
0xc9: {  	(tm) =	ssettm $0x7FFFFFFF  }
tec
execute0_lowered:
.L_overlay_start_1:
0x0: {  	(tag) =	ssettag $0x1  }
0x1: {  	s1 =	rddreg [dreg:$0x0]  }
0x2: {  	s2 =	rddreg [dreg:$0x1]  }
0x3: {  	s4 =	rddreg [dreg:$0x2]  }
0x4: {  	s0 =	rddreg [dreg:$0x3];
	s3 =	simm.s32 $0x0;
	s5 =	srdreg.scid  }
0x5: {  	s10 =	simm.s32 $0x200;
	s11 =	simm.s32 $0x400;
	s12 =	simm.s32 $0x280  }
0x6: {  	s13 =	simm.s32 $0x4400;
	s14 =	simm.s32 $0x300;
	s15 =	simm.s32 $0x8400  }
0x7: {  	s16 =	simm.s32 $0x380;
	s17 =	simm.s32 $0xC400;
	s19 =	simm.s32 $0x10400  }
0x8: {  	s20 =	simm.s32 $0x0;
	[smem:$0x7FF] =	sst s3;
	s6 =	sand.u32 $0x1, s5  }
0x9: {  	s5 =	sadd.s32 $0x3400, s4;
	s4 =	stileid.u32;
	_ =	strace $0x80000047  }
0xa: {  	s7 =	ssub.s32 $0x2, s6;
	s9 =	sshll.u32 s4, $0xF;
	s6 =	sshll.u32 s6, $0xE  }
0xb: {  	s31 =	sshll.u32 s4, $0x8;
	s8 =	sshrl.u32 s7, $0x1;
	s6 =	sor.u32 s6, s9  }
0xc: {  	s18 =	sand.u32 $0xE00, s31;
	s9 =	simm.s32 $0x80;
	s7 =	ssub.s32 s7, s8  }
0xd: {  	s8 =	simm.s32 $0x2;
	v0 =	vmov s18;
	s18 =	simm.s32 $0x1;
	s7 =	smax.u32 s7, $0x1  }
.LBB2_1:
0xe: {  	s21 =	simm.s32 $0x0  }
.LBB2_2:
0xf: {  	s22 =	sshll.u32 s21, $0x8  }
0x10: {  	s22 =	sadd.s32 s6, s22  }
0x11: {  	s23 =	sshrl.u32 s22, $0x2  }
0x12: {  	s23 =	sadd.s32 s2, s23  }
0x13: {  	[tilespmem:s3], [sflag:$0x2] =	stream.linear.gather [hbm4b:s23+s3], $0x200, $0x38;
	[tilespmem:$0x18400] =	vst v63  }
0x14: {  	_ =	swait.ge [sflag:s8], $0x200  }
0x15: {  	[sflag:s8] =	ssyncset.done $0x0  }
0x16: {  	[sflag:s8] =	ssyncadd.s32 $0xFFFFFE00  }
0x17: {  	v1 =	vld [tilespmem:$0x0]  }
0x18: {  	v2 =	vld [tilespmem:$0x10]  }
0x19: {  	v3 =	vld [tilespmem:$0x20]  }
0x1a: {  	v4 =	vld [tilespmem:$0x30]  }
0x1b: {  	v5 =	vld [tilespmem:$0x40]  }
0x1c: {  	v6 =	vld [tilespmem:$0x50];
	v1 =	vadd.s32 v0, v1  }
0x1d: {  	[tilespmem:$0x200] =	vst v1;
	v1 =	vadd.s32 v0, v2;
	v2 =	vld [tilespmem:$0x60]  }
0x1e: {  	[tilespmem:$0x210] =	vst v1;
	v1 =	vadd.s32 v0, v3;
	v3 =	vld [tilespmem:$0x70]  }
0x1f: {  	v49 =	vld [tilespmem:$0x80];
	[tilespmem:$0x220] =	vst v1;
	v1 =	vadd.s32 v0, v4  }
0x20: {  	v50 =	vld [tilespmem:$0x90];
	[tilespmem:$0x230] =	vst v1;
	v1 =	vadd.s32 v0, v5  }
0x21: {  	v51 =	vld [tilespmem:$0xA0];
	[tilespmem:$0x240] =	vst v1;
	v1 =	vadd.s32 v0, v6  }
0x22: {  	[tilespmem:$0x250] =	vst v1;
	v1 =	vadd.s32 v0, v2;
	v2 =	vld [tilespmem:$0xB0]  }
0x23: {  	[tilespmem:$0x260] =	vst v1;
	v1 =	vadd.s32 v0, v3;
	v3 =	vld [tilespmem:$0xC0]  }
0x24: {  	v52 =	vld [tilespmem:$0xD0];
	[tilespmem:$0x270] =	vst v1;
	v1 =	vadd.s32 v0, v49  }
0x25: {  	v53 =	vld [tilespmem:$0xE0];
	[tilespmem:$0x280] =	vst v1;
	v1 =	vadd.s32 v0, v50  }
0x26: {  	v54 =	vld [tilespmem:$0xF0];
	[tilespmem:$0x290] =	vst v1;
	v1 =	vadd.s32 v0, v51  }
0x27: {  	[tilespmem:$0x2A0] =	vst v1;
	v1 =	vadd.s32 v0, v2;
	v2 =	vld [tilespmem:$0x100]  }
0x28: {  	[tilespmem:$0x2B0] =	vst v1;
	v1 =	vadd.s32 v0, v3;
	v3 =	vld [tilespmem:$0x110]  }
0x29: {  	v55 =	vld [tilespmem:$0x120];
	[tilespmem:$0x2C0] =	vst v1;
	v1 =	vadd.s32 v0, v52  }
0x2a: {  	v56 =	vld [tilespmem:$0x130];
	[tilespmem:$0x2D0] =	vst v1;
	v1 =	vadd.s32 v0, v53  }
0x2b: {  	v57 =	vld [tilespmem:$0x140];
	[tilespmem:$0x2E0] =	vst v1;
	v1 =	vadd.s32 v0, v54  }
0x2c: {  	[tilespmem:$0x2F0] =	vst v1;
	v1 =	vadd.s32 v0, v2;
	v2 =	vld [tilespmem:$0x150]  }
0x2d: {  	[tilespmem:$0x300] =	vst v1;
	v1 =	vadd.s32 v0, v3;
	v3 =	vld [tilespmem:$0x160]  }
0x2e: {  	v58 =	vld [tilespmem:$0x170];
	[tilespmem:$0x310] =	vst v1;
	v1 =	vadd.s32 v0, v55  }
0x2f: {  	v59 =	vld [tilespmem:$0x180];
	[tilespmem:$0x320] =	vst v1;
	v1 =	vadd.s32 v0, v56  }
0x30: {  	v60 =	vld [tilespmem:$0x190];
	[tilespmem:$0x330] =	vst v1;
	v1 =	vadd.s32 v0, v57  }
0x31: {  	[tilespmem:$0x340] =	vst v1;
	v1 =	vadd.s32 v0, v2;
	v2 =	vld [tilespmem:$0x1A0]  }
0x32: {  	[tilespmem:$0x350] =	vst v1;
	v1 =	vadd.s32 v0, v3;
	v3 =	vld [tilespmem:$0x1B0]  }
0x33: {  	v61 =	vld [tilespmem:$0x1C0];
	[tilespmem:$0x360] =	vst v1;
	v1 =	vadd.s32 v0, v58  }
0x34: {  	v62 =	vld [tilespmem:$0x1D0];
	[tilespmem:$0x370] =	vst v1;
	v1 =	vadd.s32 v0, v59  }
0x35: {  	v63 =	vld [tilespmem:$0x1E0];
	[tilespmem:$0x380] =	vst v1;
	v1 =	vadd.s32 v0, v60  }
0x36: {  	[tilespmem:$0x390] =	vst v1;
	v1 =	vadd.s32 v0, v2;
	v2 =	vld [tilespmem:$0x1F0]  }
0x37: {  	[tilespmem:$0x3A0] =	vst v1;
	v1 =	vadd.s32 v0, v3  }
0x38: {  	[tilespmem:$0x3B0] =	vst v1;
	v1 =	vadd.s32 v0, v61  }
0x39: {  	[tilespmem:$0x3C0] =	vst v1;
	v1 =	vadd.s32 v0, v62  }
0x3a: {  	[tilespmem:$0x3D0] =	vst v1;
	v1 =	vadd.s32 v0, v63  }
0x3b: {  	[tilespmem:$0x3E0] =	vst v1;
	v1 =	vadd.s32 v0, v2  }
0x3c: {  	[tilespmem:$0x3F0] =	vst v1  }
0x3d: {  	[tilespmem:s11], [sflag:$0x1] =	stream.indirect.gather [hbm4b:s1+s9], $0x80, s10, s9, $0xb8;
	[tilespmem:$0x18400] =	vst v63  }
0x3e: {  	_ = 	snop  }
0x3f: {  	[tilespmem:s13], [sflag:$0x1] =	stream.indirect.gather [hbm4b:s1+s9], $0x80, s12, s9, $0xb8;
	[tilespmem:$0x18400] =	vst v63  }
0x40: {  	_ = 	snop  }
0x41: {  	[tilespmem:s15], [sflag:$0x1] =	stream.indirect.gather [hbm4b:s1+s9], $0x80, s14, s9, $0xb8;
	[tilespmem:$0x18400] =	vst v63  }
0x42: {  	_ = 	snop  }
0x43: {  	[tilespmem:s17], [sflag:$0x1] =	stream.indirect.gather [hbm4b:s1+s9], $0x80, s16, s9, $0xb8;
	[tilespmem:$0x18400] =	vst v63  }
0x44: {  	_ =	swait.ge [sflag:s18], $0x4000  }
0x45: {  	[sflag:s18] =	ssyncset.done $0x0  }
0x46: {  	[sflag:s18] =	ssyncadd.s32 $0xFFFFC000  }
0x47: {  	_ =	swait.ge [sflag:s18], $0x4000  }
0x48: {  	[sflag:s18] =	ssyncset.done $0x0  }
0x49: {  	[sflag:s18] =	ssyncadd.s32 $0xFFFFC000  }
0x4a: {  	_ =	swait.ge [sflag:s18], $0x4000  }
0x4b: {  	[sflag:s18] =	ssyncset.done $0x0  }
0x4c: {  	[sflag:s18] =	ssyncadd.s32 $0xFFFFC000  }
0x4d: {  	_ =	swait.ge [sflag:s18], $0x4000  }
0x4e: {  	[sflag:s18] =	ssyncset.done $0x0  }
0x4f: {  	s23 =	simm.s32 $0x500;
	[sflag:s18] =	ssyncadd.s32 $0xFFFFC000  }
0x50: {  	v1 =	vld [tilespmem:s23+$0xFFFFFF00]  }
0x51: {  	v2 =	vld [tilespmem:s23+$0xFFFFFFC0];
	_ =	sdelay $0x4  }
0x52: {  	v1 =	vadd.f32 v2, v1  }
0x53: {  	s24 =	simm.s32 $0x10480  }
0x54: {  	[tilespmem:s24+$0xFFFFFF80] =	vst v1  }
0x55: {  	v1 =	vld [tilespmem:s23+$0xFFFFFFD0]  }
0x56: {  	v2 =	vld [tilespmem:s23+$0xFFFFFF10];
	_ =	sdelay $0x4  }
0x57: {  	v1 =	vadd.f32 v1, v2;
	_ =	sdelay $0x1  }
0x58: {  	[tilespmem:s24+$0xFFFFFF90] =	vst v1  }
0x59: {  	v1 =	vld [tilespmem:s23+$0xFFFFFF20]  }
0x5a: {  	v2 =	vld [tilespmem:s23+$0xFFFFFFE0];
	_ =	sdelay $0x4  }
0x5b: {  	v1 =	vadd.f32 v2, v1;
	_ =	sdelay $0x1  }
0x5c: {  	[tilespmem:s24+$0xFFFFFFA0] =	vst v1  }
0x5d: {  	v1 =	vld [tilespmem:s23+$0xFFFFFF30]  }
0x5e: {  	v2 =	vld [tilespmem:s23+$0xFFFFFFF0];
	_ =	sdelay $0x4  }
0x5f: {  	v1 =	vadd.f32 v2, v1;
	_ =	sdelay $0x1  }
0x60: {  	[tilespmem:s24+$0xFFFFFFB0] =	vst v1  }
0x61: {  	v1 =	vld [tilespmem:s23+$0x0]  }
0x62: {  	v2 =	vld [tilespmem:s23+$0xC0];
	_ =	sdelay $0x4  }
0x63: {  	v1 =	vadd.f32 v2, v1;
	_ =	sdelay $0x1  }
0x64: {  	[tilespmem:s24+$0x0] =	vst v1  }
0x65: {  	v1 =	vld [tilespmem:s23+$0x10]  }
0x66: {  	v2 =	vld [tilespmem:s23+$0xD0];
	_ =	sdelay $0x4  }
0x67: {  	v1 =	vadd.f32 v2, v1;
	_ =	sdelay $0x1  }
0x68: {  	[tilespmem:s24+$0x10] =	vst v1  }
0x69: {  	v1 =	vld [tilespmem:s23+$0x20]  }
0x6a: {  	v2 =	vld [tilespmem:s23+$0xE0];
	_ =	sdelay $0x4  }
0x6b: {  	v1 =	vadd.f32 v2, v1;
	_ =	sdelay $0x1  }
0x6c: {  	[tilespmem:s24+$0x20] =	vst v1  }
0x6d: {  	s26 =	simm.s32 $0x0;
	s25 =	simm.s32 $0x10480;
	v1 =	vld [tilespmem:s23+$0x30]  }
.LBB2_3:
0x6e: {  	s26 =	sadd.s32 $0x2, s26;
	v2 =	vld [tilespmem:s23+$0xF0];
	s23 =	sadd.s32 $0x200, s23;
	s24 =	sadd.s32 $0x100, s24  }
0x6f: {  	p0 =	slt.u32 s26, $0xFE;
	_ =	sdelay $0x3  }
0x70: {  	v1 =	vadd.f32 v2, v1;
	_ =	sdelay $0x1  }
0x71: {  	[tilespmem:s25+$0x30] =	vst v1;
	s25 =	smov.u32 s24  }
0x72: {  	v1 =	vld [tilespmem:s23+$0xFFFFFF00]  }
0x73: {  	v2 =	vld [tilespmem:s23+$0xFFFFFFC0];
	_ =	sdelay $0x4  }
0x74: {  	v1 =	vadd.f32 v2, v1;
	_ =	sdelay $0x1  }
0x75: {  	[tilespmem:s24+$0xFFFFFF80] =	vst v1  }
0x76: {  	v1 =	vld [tilespmem:s23+$0xFFFFFFD0]  }
0x77: {  	v2 =	vld [tilespmem:s23+$0xFFFFFF10];
	_ =	sdelay $0x4  }
0x78: {  	v1 =	vadd.f32 v1, v2;
	_ =	sdelay $0x1  }
0x79: {  	[tilespmem:s24+$0xFFFFFF90] =	vst v1  }
0x7a: {  	v1 =	vld [tilespmem:s23+$0xFFFFFF20]  }
0x7b: {  	v2 =	vld [tilespmem:s23+$0xFFFFFFE0];
	_ =	sdelay $0x4  }
0x7c: {  	v1 =	vadd.f32 v2, v1;
	_ =	sdelay $0x1  }
0x7d: {  	[tilespmem:s24+$0xFFFFFFA0] =	vst v1  }
0x7e: {  	v1 =	vld [tilespmem:s23+$0xFFFFFF30]  }
0x7f: {  	v2 =	vld [tilespmem:s23+$0xFFFFFFF0];
	_ =	sdelay $0x4  }
0x80: {  	v1 =	vadd.f32 v2, v1;
	_ =	sdelay $0x1  }
0x81: {  	[tilespmem:s24+$0xFFFFFFB0] =	vst v1  }
0x82: {  	v1 =	vld [tilespmem:s23+$0x0]  }
0x83: {  	v2 =	vld [tilespmem:s23+$0xC0];
	_ =	sdelay $0x4  }
0x84: {  	v1 =	vadd.f32 v2, v1;
	_ =	sdelay $0x1  }
0x85: {  	[tilespmem:s24+$0x0] =	vst v1  }
0x86: {  	v1 =	vld [tilespmem:s23+$0x10]  }
0x87: {  	v2 =	vld [tilespmem:s23+$0xD0];
	_ =	sdelay $0x4  }
0x88: {  	v1 =	vadd.f32 v2, v1;
	_ =	sdelay $0x1  }
0x89: {  	[tilespmem:s24+$0x10] =	vst v1  }
0x8a: {  	v1 =	vld [tilespmem:s23+$0x20]  }
0x8b: {  	v2 =	vld [tilespmem:s23+$0xE0];
	_ =	sdelay $0x3  }
.Ltmp0:
0x8c: {  	(pc) =	sbr.rel @p0 .LBB2_3-.Ltmp0, $3  }
0x8d: {  	v1 =	vadd.f32 v2, v1;
	_ =	sdelay $0x1  }
0x8e: {  	[tilespmem:s24+$0x20] =	vst v1  }
0x8f: {  	v1 =	vld [tilespmem:s23+$0x30]  }
0x90: {  	v2 =	vld [tilespmem:s23+$0xF0];
	_ =	sdelay $0x4  }
0x91: {  	s21 =	sadd.s32 $0x1, s21;
	v1 =	vadd.f32 v2, v1  }
0x92: {  	s22 =	sshll.u32 s22, $0x4;
	p0 =	sne.s32 s21, $0x40  }
.Ltmp1:
0x93: {  	s22 =	sadd.s32 s5, s22;
	[tilespmem:s25+$0x30] =	vst v1;
	(pc) =	sbr.rel @p0 .LBB2_2-.Ltmp1, $4  }
0x94: {  	[hbm4b:s22+s3] =	stream.linear.scatter [tilespmem:s19], [sflag:$0x2], $0x8000, $0x38;
	[tilespmem:$0x18400] =	vst v63  }
0x95: {  	_ =	swait.ge [sflag:s8], $0x8000  }
0x96: {  	[sflag:s8] =	ssyncset.done $0x0  }
0x97: {  	[sflag:s8] =	ssyncadd.s32 $0xFFFF8000  }
0x98: {  	s20 =	sadd.s32 $0x1, s20  }
0x99: {  	p0 =	sne.s32 s20, s7  }
.Ltmp2:
0x9a: {  	_ = 	snop;
	(pc) =	sbr.rel @p0 .LBB2_1-.Ltmp2, $1  }
0x9b: {  	_ =	sdelay $0x3  }
0x9c: {  	_ =	sfence.sel $0x180000  }
0x9d: {  	[bflag:$0x0] =	sbarrier.arrive $0xFFFF  }
0x9e: {  	p0 =	sne.s32 s4, $0x0;
	_ =	strace $0x90000047  }
0x9f: {  	s0 =	sadd.s32 @!p0 $0x100000, s0;
	[bflag:$0x2] =	sbarrier.arrive $0xFFFF  }
0xa0: {  	[sflag:s0] =	ssyncadd.tile.s32 @!p0 $0x1;
	_ =	shalt  }
.Lfunc_end2:
_tile_overlayer_lowered:
.L_overlay_start_2:
0xa1: {  	(tag) =	ssettag $0x2  }
0xa2: {  	s0 =	rddreg [dreg:$0x0];
	s2 =	stileid.u32  }
0xa3: {  	s1 =	rddreg [dreg:$0x1];
	p0 =	sne.s32 s2, $0x0  }
0xa4: {  	s3 =	rddreg [dreg:$0x2];
	[bflag:$0x3] =	sbarrier.arrive $0xFFFF;
	s2 =	simm.s32 @!p0 $0x1C02  }
0xa5: {  	[timem:s3], [sflag:s2] =	dma.local @!p0 [hbm:s0], s1  }
0xa6: {  	s0 =	simm.s32 @!p0 $0x2  }
0xa7: {  	_ =	swait.ge @!p0 [sflag:s0], s1  }
0xa8: {  	s1 =	ssub.s32 @!p0 $0x0, s1;
	[sflag:s0] =	ssyncset.done @!p0 $0x0  }
0xa9: {  	[sflag:s0] =	ssyncadd.s32 @!p0 s1  }
0xaa: {  	[bflag:$0x3] =	sbarrier.arrive $0xFFFF  }
0xab: {  	_ =	shalt  }

</sc_bundles>
